<compile_context>
chip_gen: v7x
topology: tpu7x:2x2x1
jax: 0.10.2.dev20260603
libtpu: 0.0.44.dev20260713+nightly
codegen_flags: <defaults>
</compile_context>

<pallas_src>
import functools

import jax
import jax.numpy as jnp
from jax import lax
from jax.experimental import pallas as pl
from jax.experimental.pallas import tpu as pltpu
from jax.experimental.pallas import tpu_sc as plsc


_MIX = 0x45D9F3B
_FOLD = 48577
_LOW20 = 0xFFFFF
_NB = 999999

_N = 16384 * 200
_W = 32
_PER_W = _N // _W
_CH = 4096
_CHUNKS = _PER_W // _CH


def _bucket16(v):
    h = v ^ lax.shift_right_logical(v, 16)
    h = h * _MIX
    h = h ^ lax.shift_right_logical(h, 16)
    h = h * _MIX
    h = h ^ lax.shift_right_logical(h, 16)
    t = lax.shift_right_logical(h, 20) * _FOLD + (h & _LOW20)
    t = lax.shift_right_logical(t, 20) * _FOLD + (t & _LOW20)
    t = lax.shift_right_logical(t, 20) * _FOLD + (t & _LOW20)
    t = jnp.where(t >= _NB, t - _NB, t)
    return jnp.where(v == 0, 0, t + 1)


def _sc_body(x_hbm, o_hbm, ibuf, obuf):
    wid = lax.axis_index("s") * 2 + lax.axis_index("c")
    base = wid * _PER_W

    def do_chunk(k, carry):
        off = base + k * _CH
        pltpu.sync_copy(x_hbm.at[pl.ds(off, _CH)], ibuf)

        def step(i, c):
            obuf[pl.ds(i * 16, 16)] = _bucket16(ibuf[pl.ds(i * 16, 16)])
            return c

        lax.fori_loop(0, _CH // 16, step, 0, unroll=8)
        pltpu.sync_copy(obuf, o_hbm.at[pl.ds(off, _CH)])
        return carry

    lax.fori_loop(0, _CHUNKS, do_chunk, 0)


def sc_hash(xf):
    mesh = plsc.VectorSubcoreMesh(core_axis_name="c", subcore_axis_name="s")
    f = functools.partial(
        pl.kernel,
        mesh=mesh,
        out_type=jax.ShapeDtypeStruct((_N,), jnp.int32),
        scratch_types=[
            pltpu.VMEM((_CH,), jnp.int32),
            pltpu.VMEM((_CH,), jnp.int32),
        ],
    )(_sc_body)
    return f(xf)


def kernel(x):
    xf = x.reshape(_N)
    return sc_hash(xf).reshape(16384, 200)

# --- scband reference (transcript-rebuilt; emitter-appended) ---
"""Pipeline reference for scband-hash-3418793967699 (READ-ONLY COPY).

The authoritative reference and input builder live on the scoring server;
editing this copy changes nothing except your own understanding.
"""

import jax, jax.numpy as jnp
import numpy as np

NUM_BUCKETS = 1000000
MASK_ZERO = True


def _hash_u32(x):
    # Deterministic integer mixing hash emulating tf.strings.to_hash_bucket_fast
    # (FarmHash on the decimal-string representation). Exact FarmHash on strings is
    # not expressible in pure jnp, so a well-mixed 32-bit avalanche hash is used;
    # the access pattern, value range and masking semantics are identical.
    x = x.astype(jnp.uint32)
    x = x ^ (x >> 16)
    x = x * jnp.uint32(0x45D9F3B)
    x = x ^ (x >> 16)
    x = x * jnp.uint32(0x45D9F3B)
    x = x ^ (x >> 16)
    return x


def setup_inputs(seed: int = 0) -> dict:
    key = jax.random.key(seed)
    x = jax.random.randint(key, (16384, 200), 0, 2000000000, dtype=jnp.int32)
    return {"x": x}


def reference(x):
    nb = NUM_BUCKETS - 1 if MASK_ZERO else NUM_BUCKETS
    h = _hash_u32(x) % jnp.uint32(nb)
    h = h.astype(jnp.int64) if jax.config.jax_enable_x64 else h.astype(jnp.int32)
    if MASK_ZERO:
        mask = (x != 0).astype(h.dtype)
        h = (h + 1) * mask
    return h

if __name__ == "__main__":
    import jax
    _d = setup_inputs()
    print(jax.jit(kernel)(*tuple(_d.values())))

</pallas_src>

<mosaic_0001>
#map = affine_map<(d0, d1) -> (0)>
module attributes {stable_mosaic.version = 14 : i64} {
  func.func @_sc_body(%arg0: i32, %arg1: i32, %arg2: memref<3276800xi32, #tpu.memory_space<hbm>>, %arg3: memref<3276800xi32, #tpu.memory_space<hbm>>, %arg4: memref<4096xi32, #tpu.memory_space<vmem>>, %arg5: memref<4096xi32, #tpu.memory_space<vmem>>) attributes {dimension_semantics = [#tpu.dimension_semantics<core_parallel>, #tpu.dimension_semantics<subcore_parallel>], iteration_bounds = array<i64: 2, 16>, scalar_prefetch = 0 : i64, scratch_operands = 2 : i64, tpu.core_type = #tpu.core_type<sc_vector_subcore>, window_params = [{transform_indices = #map}, {transform_indices = #map}]} {
    %mul3A = arith.constant 2 : i32
    %mul3A_0 = arith.muli %arg1, %mul3A : i32
    %add3A = arith.addi %mul3A_0, %arg0 : i32
    %mul3A_1 = arith.constant 102400 : i32
    %mul3A_2 = arith.muli %add3A, %mul3A_1 : i32
    %scan3A = arith.constant 0 : i32
    %scan3A_3 = arith.constant 0 : i32
    %scan3A_4 = arith.constant 25 : i32
    %scan3A_5 = arith.addi %scan3A_3, %scan3A_4 : i32
    %scan3A_6 = arith.constant 1 : i32
    scf.for %scan3A_8 = %scan3A_3 to %scan3A_5 step %scan3A_6  : i32 {
      %mul3A_9 = arith.constant 4096 : i32
      %mul3A_10 = arith.muli %scan3A_8, %mul3A_9 : i32
      %add3A_11 = arith.addi %mul3A_2, %mul3A_10 : i32
      "tpu.region"() ({
        %run_scoped3A = tpu.sem_alloc : memref<!tpu.dma_semaphore, #tpu.memory_space<semaphore_mem>>
        %dma_start3A = tpu.memref_slice %arg2[%add3A_11] : memref<3276800xi32, #tpu.memory_space<hbm>> -> memref<4096xi32, #tpu.memory_space<hbm>>
        %dma_start3A_18 = tpu.memref_slice %arg2[%add3A_11] : memref<3276800xi32, #tpu.memory_space<hbm>> -> memref<4096xi32, #tpu.memory_space<hbm>>
        tpu.enqueue_dma source(%dma_start3A_18 : memref<4096xi32, #tpu.memory_space<hbm>>) target(%arg4 : memref<4096xi32, #tpu.memory_space<vmem>>) target_semaphore(%run_scoped3A : memref<!tpu.dma_semaphore, #tpu.memory_space<semaphore_mem>>)
        %dma_wait3A = tpu.memref_slice %arg2[%add3A_11] : memref<3276800xi32, #tpu.memory_space<hbm>> -> memref<4096xi32, #tpu.memory_space<hbm>>
        %dma_wait3A_19 = tpu.memref_slice %arg2[%add3A_11] : memref<3276800xi32, #tpu.memory_space<hbm>> -> memref<4096xi32, #tpu.memory_space<hbm>>
        tpu.wait_dma2 semaphore(%run_scoped3A : memref<!tpu.dma_semaphore, #tpu.memory_space<semaphore_mem>>) src(%dma_wait3A_19 : memref<4096xi32, #tpu.memory_space<hbm>>) dst(%arg4 : memref<4096xi32, #tpu.memory_space<vmem>>)
        tpu.yield
      }) : () -> ()
      %scan3A_12 = arith.constant 0 : i32
      %scan3A_13 = arith.constant 0 : i32
      %scan3A_14 = arith.constant 256 : i32
      %scan3A_15 = arith.addi %scan3A_13, %scan3A_14 : i32
      %scan3A_16 = arith.constant 8 : i32
      scf.for %scan3A_18 = %scan3A_13 to %scan3A_15 step %scan3A_16  : i32 {
        %mul3A_19 = arith.constant 16 : i32
        %mul3A_20 = arith.muli %scan3A_18, %mul3A_19 : i32
        %get3A = arith.index_cast %mul3A_20 : i32 to index
        %get3A_21 = tpu.vector_load %arg4[%get3A] {strides = array<i32>} : memref<4096xi32, #tpu.memory_space<vmem>>, vector<16xi32>,
        %get3A_22 = vector.shape_cast %get3A_21 : vector<16xi32> to vector<16xi32>
        %shift_right_logical3A = arith.constant 16 : i32
        %shift_right_logical3A_23 = vector.broadcast %shift_right_logical3A : i32 to vector<16xi32>
        %shift_right_logical3A_24 = arith.shrui %get3A_22, %shift_right_logical3A_23 : vector<16xi32>
        %xor3A = arith.xori %get3A_22, %shift_right_logical3A_24 : vector<16xi32>
        %mul3A_25 = arith.constant 73244475 : i32
        %mul3A_26 = vector.broadcast %mul3A_25 : i32 to vector<16xi32>
        %mul3A_27 = arith.muli %xor3A, %mul3A_26 : vector<16xi32>
        %shift_right_logical3A_28 = arith.constant 16 : i32
        %shift_right_logical3A_29 = vector.broadcast %shift_right_logical3A_28 : i32 to vector<16xi32>
        %shift_right_logical3A_30 = arith.shrui %mul3A_27, %shift_right_logical3A_29 : vector<16xi32>
        %xor3A_31 = arith.xori %mul3A_27, %shift_right_logical3A_30 : vector<16xi32>
        %mul3A_32 = arith.constant 73244475 : i32
        %mul3A_33 = vector.broadcast %mul3A_32 : i32 to vector<16xi32>
        %mul3A_34 = arith.muli %xor3A_31, %mul3A_33 : vector<16xi32>
        %shift_right_logical3A_35 = arith.constant 16 : i32
        %shift_right_logical3A_36 = vector.broadcast %shift_right_logical3A_35 : i32 to vector<16xi32>
        %shift_right_logical3A_37 = arith.shrui %mul3A_34, %shift_right_logical3A_36 : vector<16xi32>
        %xor3A_38 = arith.xori %mul3A_34, %shift_right_logical3A_37 : vector<16xi32>
        %shift_right_logical3A_39 = arith.constant 20 : i32
        %shift_right_logical3A_40 = vector.broadcast %shift_right_logical3A_39 : i32 to vector<16xi32>
        %shift_right_logical3A_41 = arith.shrui %xor3A_38, %shift_right_logical3A_40 : vector<16xi32>
        %mul3A_42 = arith.constant 48577 : i32
        %mul3A_43 = vector.broadcast %mul3A_42 : i32 to vector<16xi32>
        %mul3A_44 = arith.muli %shift_right_logical3A_41, %mul3A_43 : vector<16xi32>
        %and3A = arith.constant 1048575 : i32
        %and3A_45 = vector.broadcast %and3A : i32 to vector<16xi32>
        %and3A_46 = arith.andi %xor3A_38, %and3A_45 : vector<16xi32>
        %add3A_47 = arith.addi %mul3A_44, %and3A_46 : vector<16xi32>
        %shift_right_logical3A_48 = arith.constant 20 : i32
        %shift_right_logical3A_49 = vector.broadcast %shift_right_logical3A_48 : i32 to vector<16xi32>
        %shift_right_logical3A_50 = arith.shrui %add3A_47, %shift_right_logical3A_49 : vector<16xi32>
        %mul3A_51 = arith.constant 48577 : i32
        %mul3A_52 = vector.broadcast %mul3A_51 : i32 to vector<16xi32>
        %mul3A_53 = arith.muli %shift_right_logical3A_50, %mul3A_52 : vector<16xi32>
        %and3A_54 = arith.constant 1048575 : i32
        %and3A_55 = vector.broadcast %and3A_54 : i32 to vector<16xi32>
        %and3A_56 = arith.andi %add3A_47, %and3A_55 : vector<16xi32>
        %add3A_57 = arith.addi %mul3A_53, %and3A_56 : vector<16xi32>
        %shift_right_logical3A_58 = arith.constant 20 : i32
        %shift_right_logical3A_59 = vector.broadcast %shift_right_logical3A_58 : i32 to vector<16xi32>
        %shift_right_logical3A_60 = arith.shrui %add3A_57, %shift_right_logical3A_59 : vector<16xi32>
        %mul3A_61 = arith.constant 48577 : i32
        %mul3A_62 = vector.broadcast %mul3A_61 : i32 to vector<16xi32>
        %mul3A_63 = arith.muli %shift_right_logical3A_60, %mul3A_62 : vector<16xi32>
        %and3A_64 = arith.constant 1048575 : i32
        %and3A_65 = vector.broadcast %and3A_64 : i32 to vector<16xi32>
        %and3A_66 = arith.andi %add3A_57, %and3A_65 : vector<16xi32>
        %add3A_67 = arith.addi %mul3A_63, %and3A_66 : vector<16xi32>
        %ge3A = arith.constant 999999 : i32
        %ge3A_68 = vector.broadcast %ge3A : i32 to vector<16xi32>
        %ge3A_69 = arith.cmpi sge, %add3A_67, %ge3A_68 : vector<16xi32>
        %sub3A = arith.constant 999999 : i32
        %sub3A_70 = vector.broadcast %sub3A : i32 to vector<16xi32>
        %sub3A_71 = arith.subi %add3A_67, %sub3A_70 : vector<16xi32>
        %select_n3A = arith.select %ge3A_69, %sub3A_71, %add3A_67 : vector<16xi1>, vector<16xi32>
        %eq3A = arith.constant 0 : i32
        %eq3A_72 = vector.broadcast %eq3A : i32 to vector<16xi32>
        %eq3A_73 = arith.cmpi eq, %get3A_22, %eq3A_72 : vector<16xi32>
        %add3A_74 = arith.constant 1 : i32
        %add3A_75 = vector.broadcast %add3A_74 : i32 to vector<16xi32>
        %add3A_76 = arith.addi %select_n3A, %add3A_75 : vector<16xi32>
        %jit3A = arith.constant 0 : i32
        %broadcast_in_dim3A = vector.broadcast %jit3A : i32 to vector<16xi32>
        %select_n3A_77 = arith.select %eq3A_73, %broadcast_in_dim3A, %add3A_76 : vector<16xi1>, vector<16xi32>
        %mul3A_78 = arith.constant 16 : i32
        %mul3A_79 = arith.muli %scan3A_18, %mul3A_78 : i32
        %swap3A = arith.index_cast %mul3A_79 : i32 to index
        %swap3A_80 = tpu.vector_load %arg5[%swap3A] {strides = array<i32>} : memref<4096xi32, #tpu.memory_space<vmem>>, vector<16xi32>,
        %swap3A_81 = vector.shape_cast %swap3A_80 : vector<16xi32> to vector<16xi32>
        %swap3A_82 = vector.shape_cast %select_n3A_77 : vector<16xi32> to vector<16xi32>
        tpu.vector_store %arg5[%swap3A], %swap3A_82 {strides = array<i32>} : memref<4096xi32, #tpu.memory_space<vmem>>, vector<16xi32>,
        %scan3A_83 = arith.constant 1 : i32
        %scan3A_84 = arith.addi %scan3A_18, %scan3A_83 : i32
        %mul3A_85 = arith.constant 16 : i32
        %mul3A_86 = arith.muli %scan3A_84, %mul3A_85 : i32
        %get3A_87 = arith.index_cast %mul3A_86 : i32 to index
        %get3A_88 = tpu.vector_load %arg4[%get3A_87] {strides = array<i32>} : memref<4096xi32, #tpu.memory_space<vmem>>, vector<16xi32>,
        %get3A_89 = vector.shape_cast %get3A_88 : vector<16xi32> to vector<16xi32>
        %shift_right_logical3A_90 = arith.constant 16 : i32
        %shift_right_logical3A_91 = vector.broadcast %shift_right_logical3A_90 : i32 to vector<16xi32>
        %shift_right_logical3A_92 = arith.shrui %get3A_89, %shift_right_logical3A_91 : vector<16xi32>
        %xor3A_93 = arith.xori %get3A_89, %shift_right_logical3A_92 : vector<16xi32>
        %mul3A_94 = arith.constant 73244475 : i32
        %mul3A_95 = vector.broadcast %mul3A_94 : i32 to vector<16xi32>
        %mul3A_96 = arith.muli %xor3A_93, %mul3A_95 : vector<16xi32>
        %shift_right_logical3A_97 = arith.constant 16 : i32
        %shift_right_logical3A_98 = vector.broadcast %shift_right_logical3A_97 : i32 to vector<16xi32>
        %shift_right_logical3A_99 = arith.shrui %mul3A_96, %shift_right_logical3A_98 : vector<16xi32>
        %xor3A_100 = arith.xori %mul3A_96, %shift_right_logical3A_99 : vector<16xi32>
        %mul3A_101 = arith.constant 73244475 : i32
        %mul3A_102 = vector.broadcast %mul3A_101 : i32 to vector<16xi32>
        %mul3A_103 = arith.muli %xor3A_100, %mul3A_102 : vector<16xi32>
        %shift_right_logical3A_104 = arith.constant 16 : i32
        %shift_right_logical3A_105 = vector.broadcast %shift_right_logical3A_104 : i32 to vector<16xi32>
        %shift_right_logical3A_106 = arith.shrui %mul3A_103, %shift_right_logical3A_105 : vector<16xi32>
        %xor3A_107 = arith.xori %mul3A_103, %shift_right_logical3A_106 : vector<16xi32>
        %shift_right_logical3A_108 = arith.constant 20 : i32
        %shift_right_logical3A_109 = vector.broadcast %shift_right_logical3A_108 : i32 to vector<16xi32>
        %shift_right_logical3A_110 = arith.shrui %xor3A_107, %shift_right_logical3A_109 : vector<16xi32>
        %mul3A_111 = arith.constant 48577 : i32
        %mul3A_112 = vector.broadcast %mul3A_111 : i32 to vector<16xi32>
        %mul3A_113 = arith.muli %shift_right_logical3A_110, %mul3A_112 : vector<16xi32>
        %and3A_114 = arith.constant 1048575 : i32
        %and3A_115 = vector.broadcast %and3A_114 : i32 to vector<16xi32>
        %and3A_116 = arith.andi %xor3A_107, %and3A_115 : vector<16xi32>
        %add3A_117 = arith.addi %mul3A_113, %and3A_116 : vector<16xi32>
        %shift_right_logical3A_118 = arith.constant 20 : i32
        %shift_right_logical3A_119 = vector.broadcast %shift_right_logical3A_118 : i32 to vector<16xi32>
        %shift_right_logical3A_120 = arith.shrui %add3A_117, %shift_right_logical3A_119 : vector<16xi32>
        %mul3A_121 = arith.constant 48577 : i32
        %mul3A_122 = vector.broadcast %mul3A_121 : i32 to vector<16xi32>
        %mul3A_123 = arith.muli %shift_right_logical3A_120, %mul3A_122 : vector<16xi32>
        %and3A_124 = arith.constant 1048575 : i32
        %and3A_125 = vector.broadcast %and3A_124 : i32 to vector<16xi32>
        %and3A_126 = arith.andi %add3A_117, %and3A_125 : vector<16xi32>
        %add3A_127 = arith.addi %mul3A_123, %and3A_126 : vector<16xi32>
        %shift_right_logical3A_128 = arith.constant 20 : i32
        %shift_right_logical3A_129 = vector.broadcast %shift_right_logical3A_128 : i32 to vector<16xi32>
        %shift_right_logical3A_130 = arith.shrui %add3A_127, %shift_right_logical3A_129 : vector<16xi32>
        %mul3A_131 = arith.constant 48577 : i32
        %mul3A_132 = vector.broadcast %mul3A_131 : i32 to vector<16xi32>
        %mul3A_133 = arith.muli %shift_right_logical3A_130, %mul3A_132 : vector<16xi32>
        %and3A_134 = arith.constant 1048575 : i32
        %and3A_135 = vector.broadcast %and3A_134 : i32 to vector<16xi32>
        %and3A_136 = arith.andi %add3A_127, %and3A_135 : vector<16xi32>
        %add3A_137 = arith.addi %mul3A_133, %and3A_136 : vector<16xi32>
        %ge3A_138 = arith.constant 999999 : i32
        %ge3A_139 = vector.broadcast %ge3A_138 : i32 to vector<16xi32>
        %ge3A_140 = arith.cmpi sge, %add3A_137, %ge3A_139 : vector<16xi32>
        %sub3A_141 = arith.constant 999999 : i32
        %sub3A_142 = vector.broadcast %sub3A_141 : i32 to vector<16xi32>
        %sub3A_143 = arith.subi %add3A_137, %sub3A_142 : vector<16xi32>
        %select_n3A_144 = arith.select %ge3A_140, %sub3A_143, %add3A_137 : vector<16xi1>, vector<16xi32>
        %eq3A_145 = arith.constant 0 : i32
        %eq3A_146 = vector.broadcast %eq3A_145 : i32 to vector<16xi32>
        %eq3A_147 = arith.cmpi eq, %get3A_89, %eq3A_146 : vector<16xi32>
        %add3A_148 = arith.constant 1 : i32
        %add3A_149 = vector.broadcast %add3A_148 : i32 to vector<16xi32>
        %add3A_150 = arith.addi %select_n3A_144, %add3A_149 : vector<16xi32>
        %jit3A_151 = arith.constant 0 : i32
        %broadcast_in_dim3A_152 = vector.broadcast %jit3A_151 : i32 to vector<16xi32>
        %select_n3A_153 = arith.select %eq3A_147, %broadcast_in_dim3A_152, %add3A_150 : vector<16xi1>, vector<16xi32>
        %mul3A_154 = arith.constant 16 : i32
        %mul3A_155 = arith.muli %scan3A_84, %mul3A_154 : i32
        %swap3A_156 = arith.index_cast %mul3A_155 : i32 to index
        %swap3A_157 = tpu.vector_load %arg5[%swap3A_156] {strides = array<i32>} : memref<4096xi32, #tpu.memory_space<vmem>>, vector<16xi32>,
        %swap3A_158 = vector.shape_cast %swap3A_157 : vector<16xi32> to vector<16xi32>
        %swap3A_159 = vector.shape_cast %select_n3A_153 : vector<16xi32> to vector<16xi32>
        tpu.vector_store %arg5[%swap3A_156], %swap3A_159 {strides = array<i32>} : memref<4096xi32, #tpu.memory_space<vmem>>, vector<16xi32>,
        %scan3A_160 = arith.constant 2 : i32
        %scan3A_161 = arith.addi %scan3A_18, %scan3A_160 : i32
        %mul3A_162 = arith.constant 16 : i32
        %mul3A_163 = arith.muli %scan3A_161, %mul3A_162 : i32
        %get3A_164 = arith.index_cast %mul3A_163 : i32 to index
        %get3A_165 = tpu.vector_load %arg4[%get3A_164] {strides = array<i32>} : memref<4096xi32, #tpu.memory_space<vmem>>, vector<16xi32>,
        %get3A_166 = vector.shape_cast %get3A_165 : vector<16xi32> to vector<16xi32>
        %shift_right_logical3A_167 = arith.constant 16 : i32
        %shift_right_logical3A_168 = vector.broadcast %shift_right_logical3A_167 : i32 to vector<16xi32>
        %shift_right_logical3A_169 = arith.shrui %get3A_166, %shift_right_logical3A_168 : vector<16xi32>
        %xor3A_170 = arith.xori %get3A_166, %shift_right_logical3A_169 : vector<16xi32>
        %mul3A_171 = arith.constant 73244475 : i32
        %mul3A_172 = vector.broadcast %mul3A_171 : i32 to vector<16xi32>
        %mul3A_173 = arith.muli %xor3A_170, %mul3A_172 : vector<16xi32>
        %shift_right_logical3A_174 = arith.constant 16 : i32
        %shift_right_logical3A_175 = vector.broadcast %shift_right_logical3A_174 : i32 to vector<16xi32>
        %shift_right_logical3A_176 = arith.shrui %mul3A_173, %shift_right_logical3A_175 : vector<16xi32>
        %xor3A_177 = arith.xori %mul3A_173, %shift_right_logical3A_176 : vector<16xi32>
        %mul3A_178 = arith.constant 73244475 : i32
        %mul3A_179 = vector.broadcast %mul3A_178 : i32 to vector<16xi32>
        %mul3A_180 = arith.muli %xor3A_177, %mul3A_179 : vector<16xi32>
        %shift_right_logical3A_181 = arith.constant 16 : i32
        %shift_right_logical3A_182 = vector.broadcast %shift_right_logical3A_181 : i32 to vector<16xi32>
        %shift_right_logical3A_183 = arith.shrui %mul3A_180, %shift_right_logical3A_182 : vector<16xi32>
        %xor3A_184 = arith.xori %mul3A_180, %shift_right_logical3A_183 : vector<16xi32>
        %shift_right_logical3A_185 = arith.constant 20 : i32
        %shift_right_logical3A_186 = vector.broadcast %shift_right_logical3A_185 : i32 to vector<16xi32>
        %shift_right_logical3A_187 = arith.shrui %xor3A_184, %shift_right_logical3A_186 : vector<16xi32>
        %mul3A_188 = arith.constant 48577 : i32
        %mul3A_189 = vector.broadcast %mul3A_188 : i32 to vector<16xi32>
        %mul3A_190 = arith.muli %shift_right_logical3A_187, %mul3A_189 : vector<16xi32>
        %and3A_191 = arith.constant 1048575 : i32
        %and3A_192 = vector.broadcast %and3A_191 : i32 to vector<16xi32>
        %and3A_193 = arith.andi %xor3A_184, %and3A_192 : vector<16xi32>
        %add3A_194 = arith.addi %mul3A_190, %and3A_193 : vector<16xi32>
        %shift_right_logical3A_195 = arith.constant 20 : i32
        %shift_right_logical3A_196 = vector.broadcast %shift_right_logical3A_195 : i32 to vector<16xi32>
        %shift_right_logical3A_197 = arith.shrui %add3A_194, %shift_right_logical3A_196 : vector<16xi32>
        %mul3A_198 = arith.constant 48577 : i32
        %mul3A_199 = vector.broadcast %mul3A_198 : i32 to vector<16xi32>
        %mul3A_200 = arith.muli %shift_right_logical3A_197, %mul3A_199 : vector<16xi32>
        %and3A_201 = arith.constant 1048575 : i32
        %and3A_202 = vector.broadcast %and3A_201 : i32 to vector<16xi32>
        %and3A_203 = arith.andi %add3A_194, %and3A_202 : vector<16xi32>
        %add3A_204 = arith.addi %mul3A_200, %and3A_203 : vector<16xi32>
        %shift_right_logical3A_205 = arith.constant 20 : i32
        %shift_right_logical3A_206 = vector.broadcast %shift_right_logical3A_205 : i32 to vector<16xi32>
        %shift_right_logical3A_207 = arith.shrui %add3A_204, %shift_right_logical3A_206 : vector<16xi32>
        %mul3A_208 = arith.constant 48577 : i32
        %mul3A_209 = vector.broadcast %mul3A_208 : i32 to vector<16xi32>
        %mul3A_210 = arith.muli %shift_right_logical3A_207, %mul3A_209 : vector<16xi32>
        %and3A_211 = arith.constant 1048575 : i32
        %and3A_212 = vector.broadcast %and3A_211 : i32 to vector<16xi32>
        %and3A_213 = arith.andi %add3A_204, %and3A_212 : vector<16xi32>
        %add3A_214 = arith.addi %mul3A_210, %and3A_213 : vector<16xi32>
        %ge3A_215 = arith.constant 999999 : i32
        %ge3A_216 = vector.broadcast %ge3A_215 : i32 to vector<16xi32>
        %ge3A_217 = arith.cmpi sge, %add3A_214, %ge3A_216 : vector<16xi32>
        %sub3A_218 = arith.constant 999999 : i32
        %sub3A_219 = vector.broadcast %sub3A_218 : i32 to vector<16xi32>
        %sub3A_220 = arith.subi %add3A_214, %sub3A_219 : vector<16xi32>
        %select_n3A_221 = arith.select %ge3A_217, %sub3A_220, %add3A_214 : vector<16xi1>, vector<16xi32>
        %eq3A_222 = arith.constant 0 : i32
        %eq3A_223 = vector.broadcast %eq3A_222 : i32 to vector<16xi32>
        %eq3A_224 = arith.cmpi eq, %get3A_166, %eq3A_223 : vector<16xi32>
        %add3A_225 = arith.constant 1 : i32
        %add3A_226 = vector.broadcast %add3A_225 : i32 to vector<16xi32>
        %add3A_227 = arith.addi %select_n3A_221, %add3A_226 : vector<16xi32>
        %jit3A_228 = arith.constant 0 : i32
        %broadcast_in_dim3A_229 = vector.broadcast %jit3A_228 : i32 to vector<16xi32>
        %select_n3A_230 = arith.select %eq3A_224, %broadcast_in_dim3A_229, %add3A_227 : vector<16xi1>, vector<16xi32>
        %mul3A_231 = arith.constant 16 : i32
        %mul3A_232 = arith.muli %scan3A_161, %mul3A_231 : i32
        %swap3A_233 = arith.index_cast %mul3A_232 : i32 to index
        %swap3A_234 = tpu.vector_load %arg5[%swap3A_233] {strides = array<i32>} : memref<4096xi32, #tpu.memory_space<vmem>>, vector<16xi32>,
        %swap3A_235 = vector.shape_cast %swap3A_234 : vector<16xi32> to vector<16xi32>
        %swap3A_236 = vector.shape_cast %select_n3A_230 : vector<16xi32> to vector<16xi32>
        tpu.vector_store %arg5[%swap3A_233], %swap3A_236 {strides = array<i32>} : memref<4096xi32, #tpu.memory_space<vmem>>, vector<16xi32>,
        %scan3A_237 = arith.constant 3 : i32
        %scan3A_238 = arith.addi %scan3A_18, %scan3A_237 : i32
        %mul3A_239 = arith.constant 16 : i32
        %mul3A_240 = arith.muli %scan3A_238, %mul3A_239 : i32
        %get3A_241 = arith.index_cast %mul3A_240 : i32 to index
        %get3A_242 = tpu.vector_load %arg4[%get3A_241] {strides = array<i32>} : memref<4096xi32, #tpu.memory_space<vmem>>, vector<16xi32>,
        %get3A_243 = vector.shape_cast %get3A_242 : vector<16xi32> to vector<16xi32>
        %shift_right_logical3A_244 = arith.constant 16 : i32
        %shift_right_logical3A_245 = vector.broadcast %shift_right_logical3A_244 : i32 to vector<16xi32>
        %shift_right_logical3A_246 = arith.shrui %get3A_243, %shift_right_logical3A_245 : vector<16xi32>
        %xor3A_247 = arith.xori %get3A_243, %shift_right_logical3A_246 : vector<16xi32>
        %mul3A_248 = arith.constant 73244475 : i32
        %mul3A_249 = vector.broadcast %mul3A_248 : i32 to vector<16xi32>
        %mul3A_250 = arith.muli %xor3A_247, %mul3A_249 : vector<16xi32>
        %shift_right_logical3A_251 = arith.constant 16 : i32
        %shift_right_logical3A_252 = vector.broadcast %shift_right_logical3A_251 : i32 to vector<16xi32>
        %shift_right_logical3A_253 = arith.shrui %mul3A_250, %shift_right_logical3A_252 : vector<16xi32>
        %xor3A_254 = arith.xori %mul3A_250, %shift_right_logical3A_253 : vector<16xi32>
        %mul3A_255 = arith.constant 73244475 : i32
        %mul3A_256 = vector.broadcast %mul3A_255 : i32 to vector<16xi32>
        %mul3A_257 = arith.muli %xor3A_254, %mul3A_256 : vector<16xi32>
        %shift_right_logical3A_258 = arith.constant 16 : i32
        %shift_right_logical3A_259 = vector.broadcast %shift_right_logical3A_258 : i32 to vector<16xi32>
        %shift_right_logical3A_260 = arith.shrui %mul3A_257, %shift_right_logical3A_259 : vector<16xi32>
        %xor3A_261 = arith.xori %mul3A_257, %shift_right_logical3A_260 : vector<16xi32>
        %shift_right_logical3A_262 = arith.constant 20 : i32
        %shift_right_logical3A_263 = vector.broadcast %shift_right_logical3A_262 : i32 to vector<16xi32>
        %shift_right_logical3A_264 = arith.shrui %xor3A_261, %shift_right_logical3A_263 : vector<16xi32>
        %mul3A_265 = arith.constant 48577 : i32
        %mul3A_266 = vector.broadcast %mul3A_265 : i32 to vector<16xi32>
        %mul3A_267 = arith.muli %shift_right_logical3A_264, %mul3A_266 : vector<16xi32>
        %and3A_268 = arith.constant 1048575 : i32
        %and3A_269 = vector.broadcast %and3A_268 : i32 to vector<16xi32>
        %and3A_270 = arith.andi %xor3A_261, %and3A_269 : vector<16xi32>
        %add3A_271 = arith.addi %mul3A_267, %and3A_270 : vector<16xi32>
        %shift_right_logical3A_272 = arith.constant 20 : i32
        %shift_right_logical3A_273 = vector.broadcast %shift_right_logical3A_272 : i32 to vector<16xi32>
        %shift_right_logical3A_274 = arith.shrui %add3A_271, %shift_right_logical3A_273 : vector<16xi32>
        %mul3A_275 = arith.constant 48577 : i32
        %mul3A_276 = vector.broadcast %mul3A_275 : i32 to vector<16xi32>
        %mul3A_277 = arith.muli %shift_right_logical3A_274, %mul3A_276 : vector<16xi32>
        %and3A_278 = arith.constant 1048575 : i32
        %and3A_279 = vector.broadcast %and3A_278 : i32 to vector<16xi32>
        %and3A_280 = arith.andi %add3A_271, %and3A_279 : vector<16xi32>
        %add3A_281 = arith.addi %mul3A_277, %and3A_280 : vector<16xi32>
        %shift_right_logical3A_282 = arith.constant 20 : i32
        %shift_right_logical3A_283 = vector.broadcast %shift_right_logical3A_282 : i32 to vector<16xi32>
        %shift_right_logical3A_284 = arith.shrui %add3A_281, %shift_right_logical3A_283 : vector<16xi32>
        %mul3A_285 = arith.constant 48577 : i32
        %mul3A_286 = vector.broadcast %mul3A_285 : i32 to vector<16xi32>
        %mul3A_287 = arith.muli %shift_right_logical3A_284, %mul3A_286 : vector<16xi32>
        %and3A_288 = arith.constant 1048575 : i32
        %and3A_289 = vector.broadcast %and3A_288 : i32 to vector<16xi32>
        %and3A_290 = arith.andi %add3A_281, %and3A_289 : vector<16xi32>
        %add3A_291 = arith.addi %mul3A_287, %and3A_290 : vector<16xi32>
        %ge3A_292 = arith.constant 999999 : i32
        %ge3A_293 = vector.broadcast %ge3A_292 : i32 to vector<16xi32>
        %ge3A_294 = arith.cmpi sge, %add3A_291, %ge3A_293 : vector<16xi32>
        %sub3A_295 = arith.constant 999999 : i32
        %sub3A_296 = vector.broadcast %sub3A_295 : i32 to vector<16xi32>
        %sub3A_297 = arith.subi %add3A_291, %sub3A_296 : vector<16xi32>
        %select_n3A_298 = arith.select %ge3A_294, %sub3A_297, %add3A_291 : vector<16xi1>, vector<16xi32>
        %eq3A_299 = arith.constant 0 : i32
        %eq3A_300 = vector.broadcast %eq3A_299 : i32 to vector<16xi32>
        %eq3A_301 = arith.cmpi eq, %get3A_243, %eq3A_300 : vector<16xi32>
        %add3A_302 = arith.constant 1 : i32
        %add3A_303 = vector.broadcast %add3A_302 : i32 to vector<16xi32>
        %add3A_304 = arith.addi %select_n3A_298, %add3A_303 : vector<16xi32>
        %jit3A_305 = arith.constant 0 : i32
        %broadcast_in_dim3A_306 = vector.broadcast %jit3A_305 : i32 to vector<16xi32>
        %select_n3A_307 = arith.select %eq3A_301, %broadcast_in_dim3A_306, %add3A_304 : vector<16xi1>, vector<16xi32>
        %mul3A_308 = arith.constant 16 : i32
        %mul3A_309 = arith.muli %scan3A_238, %mul3A_308 : i32
        %swap3A_310 = arith.index_cast %mul3A_309 : i32 to index
        %swap3A_311 = tpu.vector_load %arg5[%swap3A_310] {strides = array<i32>} : memref<4096xi32, #tpu.memory_space<vmem>>, vector<16xi32>,
        %swap3A_312 = vector.shape_cast %swap3A_311 : vector<16xi32> to vector<16xi32>
        %swap3A_313 = vector.shape_cast %select_n3A_307 : vector<16xi32> to vector<16xi32>
        tpu.vector_store %arg5[%swap3A_310], %swap3A_313 {strides = array<i32>} : memref<4096xi32, #tpu.memory_space<vmem>>, vector<16xi32>,
        %scan3A_314 = arith.constant 4 : i32
        %scan3A_315 = arith.addi %scan3A_18, %scan3A_314 : i32
        %mul3A_316 = arith.constant 16 : i32
        %mul3A_317 = arith.muli %scan3A_315, %mul3A_316 : i32
        %get3A_318 = arith.index_cast %mul3A_317 : i32 to index
        %get3A_319 = tpu.vector_load %arg4[%get3A_318] {strides = array<i32>} : memref<4096xi32, #tpu.memory_space<vmem>>, vector<16xi32>,
        %get3A_320 = vector.shape_cast %get3A_319 : vector<16xi32> to vector<16xi32>
        %shift_right_logical3A_321 = arith.constant 16 : i32
        %shift_right_logical3A_322 = vector.broadcast %shift_right_logical3A_321 : i32 to vector<16xi32>
        %shift_right_logical3A_323 = arith.shrui %get3A_320, %shift_right_logical3A_322 : vector<16xi32>
        %xor3A_324 = arith.xori %get3A_320, %shift_right_logical3A_323 : vector<16xi32>
        %mul3A_325 = arith.constant 73244475 : i32
        %mul3A_326 = vector.broadcast %mul3A_325 : i32 to vector<16xi32>
        %mul3A_327 = arith.muli %xor3A_324, %mul3A_326 : vector<16xi32>
        %shift_right_logical3A_328 = arith.constant 16 : i32
        %shift_right_logical3A_329 = vector.broadcast %shift_right_logical3A_328 : i32 to vector<16xi32>
        %shift_right_logical3A_330 = arith.shrui %mul3A_327, %shift_right_logical3A_329 : vector<16xi32>
        %xor3A_331 = arith.xori %mul3A_327, %shift_right_logical3A_330 : vector<16xi32>
        %mul3A_332 = arith.constant 73244475 : i32
        %mul3A_333 = vector.broadcast %mul3A_332 : i32 to vector<16xi32>
        %mul3A_334 = arith.muli %xor3A_331, %mul3A_333 : vector<16xi32>
        %shift_right_logical3A_335 = arith.constant 16 : i32
        %shift_right_logical3A_336 = vector.broadcast %shift_right_logical3A_335 : i32 to vector<16xi32>
        %shift_right_logical3A_337 = arith.shrui %mul3A_334, %shift_right_logical3A_336 : vector<16xi32>
        %xor3A_338 = arith.xori %mul3A_334, %shift_right_logical3A_337 : vector<16xi32>
        %shift_right_logical3A_339 = arith.constant 20 : i32
        %shift_right_logical3A_340 = vector.broadcast %shift_right_logical3A_339 : i32 to vector<16xi32>
        %shift_right_logical3A_341 = arith.shrui %xor3A_338, %shift_right_logical3A_340 : vector<16xi32>
        %mul3A_342 = arith.constant 48577 : i32
        %mul3A_343 = vector.broadcast %mul3A_342 : i32 to vector<16xi32>
        %mul3A_344 = arith.muli %shift_right_logical3A_341, %mul3A_343 : vector<16xi32>
        %and3A_345 = arith.constant 1048575 : i32
        %and3A_346 = vector.broadcast %and3A_345 : i32 to vector<16xi32>
        %and3A_347 = arith.andi %xor3A_338, %and3A_346 : vector<16xi32>
        %add3A_348 = arith.addi %mul3A_344, %and3A_347 : vector<16xi32>
        %shift_right_logical3A_349 = arith.constant 20 : i32
        %shift_right_logical3A_350 = vector.broadcast %shift_right_logical3A_349 : i32 to vector<16xi32>
        %shift_right_logical3A_351 = arith.shrui %add3A_348, %shift_right_logical3A_350 : vector<16xi32>
        %mul3A_352 = arith.constant 48577 : i32
        %mul3A_353 = vector.broadcast %mul3A_352 : i32 to vector<16xi32>
        %mul3A_354 = arith.muli %shift_right_logical3A_351, %mul3A_353 : vector<16xi32>
        %and3A_355 = arith.constant 1048575 : i32
        %and3A_356 = vector.broadcast %and3A_355 : i32 to vector<16xi32>
        %and3A_357 = arith.andi %add3A_348, %and3A_356 : vector<16xi32>
        %add3A_358 = arith.addi %mul3A_354, %and3A_357 : vector<16xi32>
        %shift_right_logical3A_359 = arith.constant 20 : i32
        %shift_right_logical3A_360 = vector.broadcast %shift_right_logical3A_359 : i32 to vector<16xi32>
        %shift_right_logical3A_361 = arith.shrui %add3A_358, %shift_right_logical3A_360 : vector<16xi32>
        %mul3A_362 = arith.constant 48577 : i32
        %mul3A_363 = vector.broadcast %mul3A_362 : i32 to vector<16xi32>
        %mul3A_364 = arith.muli %shift_right_logical3A_361, %mul3A_363 : vector<16xi32>
        %and3A_365 = arith.constant 1048575 : i32
        %and3A_366 = vector.broadcast %and3A_365 : i32 to vector<16xi32>
        %and3A_367 = arith.andi %add3A_358, %and3A_366 : vector<16xi32>
        %add3A_368 = arith.addi %mul3A_364, %and3A_367 : vector<16xi32>
        %ge3A_369 = arith.constant 999999 : i32
        %ge3A_370 = vector.broadcast %ge3A_369 : i32 to vector<16xi32>
        %ge3A_371 = arith.cmpi sge, %add3A_368, %ge3A_370 : vector<16xi32>
        %sub3A_372 = arith.constant 999999 : i32
        %sub3A_373 = vector.broadcast %sub3A_372 : i32 to vector<16xi32>
        %sub3A_374 = arith.subi %add3A_368, %sub3A_373 : vector<16xi32>
        %select_n3A_375 = arith.select %ge3A_371, %sub3A_374, %add3A_368 : vector<16xi1>, vector<16xi32>
        %eq3A_376 = arith.constant 0 : i32
        %eq3A_377 = vector.broadcast %eq3A_376 : i32 to vector<16xi32>
        %eq3A_378 = arith.cmpi eq, %get3A_320, %eq3A_377 : vector<16xi32>
        %add3A_379 = arith.constant 1 : i32
        %add3A_380 = vector.broadcast %add3A_379 : i32 to vector<16xi32>
        %add3A_381 = arith.addi %select_n3A_375, %add3A_380 : vector<16xi32>
        %jit3A_382 = arith.constant 0 : i32
        %broadcast_in_dim3A_383 = vector.broadcast %jit3A_382 : i32 to vector<16xi32>
        %select_n3A_384 = arith.select %eq3A_378, %broadcast_in_dim3A_383, %add3A_381 : vector<16xi1>, vector<16xi32>
        %mul3A_385 = arith.constant 16 : i32
        %mul3A_386 = arith.muli %scan3A_315, %mul3A_385 : i32
        %swap3A_387 = arith.index_cast %mul3A_386 : i32 to index
        %swap3A_388 = tpu.vector_load %arg5[%swap3A_387] {strides = array<i32>} : memref<4096xi32, #tpu.memory_space<vmem>>, vector<16xi32>,
        %swap3A_389 = vector.shape_cast %swap3A_388 : vector<16xi32> to vector<16xi32>
        %swap3A_390 = vector.shape_cast %select_n3A_384 : vector<16xi32> to vector<16xi32>
        tpu.vector_store %arg5[%swap3A_387], %swap3A_390 {strides = array<i32>} : memref<4096xi32, #tpu.memory_space<vmem>>, vector<16xi32>,
        %scan3A_391 = arith.constant 5 : i32
        %scan3A_392 = arith.addi %scan3A_18, %scan3A_391 : i32
        %mul3A_393 = arith.constant 16 : i32
        %mul3A_394 = arith.muli %scan3A_392, %mul3A_393 : i32
        %get3A_395 = arith.index_cast %mul3A_394 : i32 to index
        %get3A_396 = tpu.vector_load %arg4[%get3A_395] {strides = array<i32>} : memref<4096xi32, #tpu.memory_space<vmem>>, vector<16xi32>,
        %get3A_397 = vector.shape_cast %get3A_396 : vector<16xi32> to vector<16xi32>
        %shift_right_logical3A_398 = arith.constant 16 : i32
        %shift_right_logical3A_399 = vector.broadcast %shift_right_logical3A_398 : i32 to vector<16xi32>
        %shift_right_logical3A_400 = arith.shrui %get3A_397, %shift_right_logical3A_399 : vector<16xi32>
        %xor3A_401 = arith.xori %get3A_397, %shift_right_logical3A_400 : vector<16xi32>
        %mul3A_402 = arith.constant 73244475 : i32
        %mul3A_403 = vector.broadcast %mul3A_402 : i32 to vector<16xi32>
        %mul3A_404 = arith.muli %xor3A_401, %mul3A_403 : vector<16xi32>
        %shift_right_logical3A_405 = arith.constant 16 : i32
        %shift_right_logical3A_406 = vector.broadcast %shift_right_logical3A_405 : i32 to vector<16xi32>
        %shift_right_logical3A_407 = arith.shrui %mul3A_404, %shift_right_logical3A_406 : vector<16xi32>
        %xor3A_408 = arith.xori %mul3A_404, %shift_right_logical3A_407 : vector<16xi32>
        %mul3A_409 = arith.constant 73244475 : i32
        %mul3A_410 = vector.broadcast %mul3A_409 : i32 to vector<16xi32>
        %mul3A_411 = arith.muli %xor3A_408, %mul3A_410 : vector<16xi32>
        %shift_right_logical3A_412 = arith.constant 16 : i32
        %shift_right_logical3A_413 = vector.broadcast %shift_right_logical3A_412 : i32 to vector<16xi32>
        %shift_right_logical3A_414 = arith.shrui %mul3A_411, %shift_right_logical3A_413 : vector<16xi32>
        %xor3A_415 = arith.xori %mul3A_411, %shift_right_logical3A_414 : vector<16xi32>
        %shift_right_logical3A_416 = arith.constant 20 : i32
        %shift_right_logical3A_417 = vector.broadcast %shift_right_logical3A_416 : i32 to vector<16xi32>
        %shift_right_logical3A_418 = arith.shrui %xor3A_415, %shift_right_logical3A_417 : vector<16xi32>
        %mul3A_419 = arith.constant 48577 : i32
        %mul3A_420 = vector.broadcast %mul3A_419 : i32 to vector<16xi32>
        %mul3A_421 = arith.muli %shift_right_logical3A_418, %mul3A_420 : vector<16xi32>
        %and3A_422 = arith.constant 1048575 : i32
        %and3A_423 = vector.broadcast %and3A_422 : i32 to vector<16xi32>
        %and3A_424 = arith.andi %xor3A_415, %and3A_423 : vector<16xi32>
        %add3A_425 = arith.addi %mul3A_421, %and3A_424 : vector<16xi32>
        %shift_right_logical3A_426 = arith.constant 20 : i32
        %shift_right_logical3A_427 = vector.broadcast %shift_right_logical3A_426 : i32 to vector<16xi32>
        %shift_right_logical3A_428 = arith.shrui %add3A_425, %shift_right_logical3A_427 : vector<16xi32>
        %mul3A_429 = arith.constant 48577 : i32
        %mul3A_430 = vector.broadcast %mul3A_429 : i32 to vector<16xi32>
        %mul3A_431 = arith.muli %shift_right_logical3A_428, %mul3A_430 : vector<16xi32>
        %and3A_432 = arith.constant 1048575 : i32
        %and3A_433 = vector.broadcast %and3A_432 : i32 to vector<16xi32>
        %and3A_434 = arith.andi %add3A_425, %and3A_433 : vector<16xi32>
        %add3A_435 = arith.addi %mul3A_431, %and3A_434 : vector<16xi32>
        %shift_right_logical3A_436 = arith.constant 20 : i32
        %shift_right_logical3A_437 = vector.broadcast %shift_right_logical3A_436 : i32 to vector<16xi32>
        %shift_right_logical3A_438 = arith.shrui %add3A_435, %shift_right_logical3A_437 : vector<16xi32>
        %mul3A_439 = arith.constant 48577 : i32
        %mul3A_440 = vector.broadcast %mul3A_439 : i32 to vector<16xi32>
        %mul3A_441 = arith.muli %shift_right_logical3A_438, %mul3A_440 : vector<16xi32>
        %and3A_442 = arith.constant 1048575 : i32
        %and3A_443 = vector.broadcast %and3A_442 : i32 to vector<16xi32>
        %and3A_444 = arith.andi %add3A_435, %and3A_443 : vector<16xi32>
        %add3A_445 = arith.addi %mul3A_441, %and3A_444 : vector<16xi32>
        %ge3A_446 = arith.constant 999999 : i32
        %ge3A_447 = vector.broadcast %ge3A_446 : i32 to vector<16xi32>
        %ge3A_448 = arith.cmpi sge, %add3A_445, %ge3A_447 : vector<16xi32>
        %sub3A_449 = arith.constant 999999 : i32
        %sub3A_450 = vector.broadcast %sub3A_449 : i32 to vector<16xi32>
        %sub3A_451 = arith.subi %add3A_445, %sub3A_450 : vector<16xi32>
        %select_n3A_452 = arith.select %ge3A_448, %sub3A_451, %add3A_445 : vector<16xi1>, vector<16xi32>
        %eq3A_453 = arith.constant 0 : i32
        %eq3A_454 = vector.broadcast %eq3A_453 : i32 to vector<16xi32>
        %eq3A_455 = arith.cmpi eq, %get3A_397, %eq3A_454 : vector<16xi32>
        %add3A_456 = arith.constant 1 : i32
        %add3A_457 = vector.broadcast %add3A_456 : i32 to vector<16xi32>
        %add3A_458 = arith.addi %select_n3A_452, %add3A_457 : vector<16xi32>
        %jit3A_459 = arith.constant 0 : i32
        %broadcast_in_dim3A_460 = vector.broadcast %jit3A_459 : i32 to vector<16xi32>
        %select_n3A_461 = arith.select %eq3A_455, %broadcast_in_dim3A_460, %add3A_458 : vector<16xi1>, vector<16xi32>
        %mul3A_462 = arith.constant 16 : i32
        %mul3A_463 = arith.muli %scan3A_392, %mul3A_462 : i32
        %swap3A_464 = arith.index_cast %mul3A_463 : i32 to index
        %swap3A_465 = tpu.vector_load %arg5[%swap3A_464] {strides = array<i32>} : memref<4096xi32, #tpu.memory_space<vmem>>, vector<16xi32>,
        %swap3A_466 = vector.shape_cast %swap3A_465 : vector<16xi32> to vector<16xi32>
        %swap3A_467 = vector.shape_cast %select_n3A_461 : vector<16xi32> to vector<16xi32>
        tpu.vector_store %arg5[%swap3A_464], %swap3A_467 {strides = array<i32>} : memref<4096xi32, #tpu.memory_space<vmem>>, vector<16xi32>,
        %scan3A_468 = arith.constant 6 : i32
        %scan3A_469 = arith.addi %scan3A_18, %scan3A_468 : i32
        %mul3A_470 = arith.constant 16 : i32
        %mul3A_471 = arith.muli %scan3A_469, %mul3A_470 : i32
        %get3A_472 = arith.index_cast %mul3A_471 : i32 to index
        %get3A_473 = tpu.vector_load %arg4[%get3A_472] {strides = array<i32>} : memref<4096xi32, #tpu.memory_space<vmem>>, vector<16xi32>,
        %get3A_474 = vector.shape_cast %get3A_473 : vector<16xi32> to vector<16xi32>
        %shift_right_logical3A_475 = arith.constant 16 : i32
        %shift_right_logical3A_476 = vector.broadcast %shift_right_logical3A_475 : i32 to vector<16xi32>
        %shift_right_logical3A_477 = arith.shrui %get3A_474, %shift_right_logical3A_476 : vector<16xi32>
        %xor3A_478 = arith.xori %get3A_474, %shift_right_logical3A_477 : vector<16xi32>
        %mul3A_479 = arith.constant 73244475 : i32
        %mul3A_480 = vector.broadcast %mul3A_479 : i32 to vector<16xi32>
        %mul3A_481 = arith.muli %xor3A_478, %mul3A_480 : vector<16xi32>
        %shift_right_logical3A_482 = arith.constant 16 : i32
        %shift_right_logical3A_483 = vector.broadcast %shift_right_logical3A_482 : i32 to vector<16xi32>
        %shift_right_logical3A_484 = arith.shrui %mul3A_481, %shift_right_logical3A_483 : vector<16xi32>
        %xor3A_485 = arith.xori %mul3A_481, %shift_right_logical3A_484 : vector<16xi32>
        %mul3A_486 = arith.constant 73244475 : i32
        %mul3A_487 = vector.broadcast %mul3A_486 : i32 to vector<16xi32>
        %mul3A_488 = arith.muli %xor3A_485, %mul3A_487 : vector<16xi32>
        %shift_right_logical3A_489 = arith.constant 16 : i32
        %shift_right_logical3A_490 = vector.broadcast %shift_right_logical3A_489 : i32 to vector<16xi32>
        %shift_right_logical3A_491 = arith.shrui %mul3A_488, %shift_right_logical3A_490 : vector<16xi32>
        %xor3A_492 = arith.xori %mul3A_488, %shift_right_logical3A_491 : vector<16xi32>
        %shift_right_logical3A_493 = arith.constant 20 : i32
        %shift_right_logical3A_494 = vector.broadcast %shift_right_logical3A_493 : i32 to vector<16xi32>
        %shift_right_logical3A_495 = arith.shrui %xor3A_492, %shift_right_logical3A_494 : vector<16xi32>
        %mul3A_496 = arith.constant 48577 : i32
        %mul3A_497 = vector.broadcast %mul3A_496 : i32 to vector<16xi32>
        %mul3A_498 = arith.muli %shift_right_logical3A_495, %mul3A_497 : vector<16xi32>
        %and3A_499 = arith.constant 1048575 : i32
        %and3A_500 = vector.broadcast %and3A_499 : i32 to vector<16xi32>
        %and3A_501 = arith.andi %xor3A_492, %and3A_500 : vector<16xi32>
        %add3A_502 = arith.addi %mul3A_498, %and3A_501 : vector<16xi32>
        %shift_right_logical3A_503 = arith.constant 20 : i32
        %shift_right_logical3A_504 = vector.broadcast %shift_right_logical3A_503 : i32 to vector<16xi32>
        %shift_right_logical3A_505 = arith.shrui %add3A_502, %shift_right_logical3A_504 : vector<16xi32>
        %mul3A_506 = arith.constant 48577 : i32
        %mul3A_507 = vector.broadcast %mul3A_506 : i32 to vector<16xi32>
        %mul3A_508 = arith.muli %shift_right_logical3A_505, %mul3A_507 : vector<16xi32>
        %and3A_509 = arith.constant 1048575 : i32
        %and3A_510 = vector.broadcast %and3A_509 : i32 to vector<16xi32>
        %and3A_511 = arith.andi %add3A_502, %and3A_510 : vector<16xi32>
        %add3A_512 = arith.addi %mul3A_508, %and3A_511 : vector<16xi32>
        %shift_right_logical3A_513 = arith.constant 20 : i32
        %shift_right_logical3A_514 = vector.broadcast %shift_right_logical3A_513 : i32 to vector<16xi32>
        %shift_right_logical3A_515 = arith.shrui %add3A_512, %shift_right_logical3A_514 : vector<16xi32>
        %mul3A_516 = arith.constant 48577 : i32
        %mul3A_517 = vector.broadcast %mul3A_516 : i32 to vector<16xi32>
        %mul3A_518 = arith.muli %shift_right_logical3A_515, %mul3A_517 : vector<16xi32>
        %and3A_519 = arith.constant 1048575 : i32
        %and3A_520 = vector.broadcast %and3A_519 : i32 to vector<16xi32>
        %and3A_521 = arith.andi %add3A_512, %and3A_520 : vector<16xi32>
        %add3A_522 = arith.addi %mul3A_518, %and3A_521 : vector<16xi32>
        %ge3A_523 = arith.constant 999999 : i32
        %ge3A_524 = vector.broadcast %ge3A_523 : i32 to vector<16xi32>
        %ge3A_525 = arith.cmpi sge, %add3A_522, %ge3A_524 : vector<16xi32>
        %sub3A_526 = arith.constant 999999 : i32
        %sub3A_527 = vector.broadcast %sub3A_526 : i32 to vector<16xi32>
        %sub3A_528 = arith.subi %add3A_522, %sub3A_527 : vector<16xi32>
        %select_n3A_529 = arith.select %ge3A_525, %sub3A_528, %add3A_522 : vector<16xi1>, vector<16xi32>
        %eq3A_530 = arith.constant 0 : i32
        %eq3A_531 = vector.broadcast %eq3A_530 : i32 to vector<16xi32>
        %eq3A_532 = arith.cmpi eq, %get3A_474, %eq3A_531 : vector<16xi32>
        %add3A_533 = arith.constant 1 : i32
        %add3A_534 = vector.broadcast %add3A_533 : i32 to vector<16xi32>
        %add3A_535 = arith.addi %select_n3A_529, %add3A_534 : vector<16xi32>
        %jit3A_536 = arith.constant 0 : i32
        %broadcast_in_dim3A_537 = vector.broadcast %jit3A_536 : i32 to vector<16xi32>
        %select_n3A_538 = arith.select %eq3A_532, %broadcast_in_dim3A_537, %add3A_535 : vector<16xi1>, vector<16xi32>
        %mul3A_539 = arith.constant 16 : i32
        %mul3A_540 = arith.muli %scan3A_469, %mul3A_539 : i32
        %swap3A_541 = arith.index_cast %mul3A_540 : i32 to index
        %swap3A_542 = tpu.vector_load %arg5[%swap3A_541] {strides = array<i32>} : memref<4096xi32, #tpu.memory_space<vmem>>, vector<16xi32>,
        %swap3A_543 = vector.shape_cast %swap3A_542 : vector<16xi32> to vector<16xi32>
        %swap3A_544 = vector.shape_cast %select_n3A_538 : vector<16xi32> to vector<16xi32>
        tpu.vector_store %arg5[%swap3A_541], %swap3A_544 {strides = array<i32>} : memref<4096xi32, #tpu.memory_space<vmem>>, vector<16xi32>,
        %scan3A_545 = arith.constant 7 : i32
        %scan3A_546 = arith.addi %scan3A_18, %scan3A_545 : i32
        %mul3A_547 = arith.constant 16 : i32
        %mul3A_548 = arith.muli %scan3A_546, %mul3A_547 : i32
        %get3A_549 = arith.index_cast %mul3A_548 : i32 to index
        %get3A_550 = tpu.vector_load %arg4[%get3A_549] {strides = array<i32>} : memref<4096xi32, #tpu.memory_space<vmem>>, vector<16xi32>,
        %get3A_551 = vector.shape_cast %get3A_550 : vector<16xi32> to vector<16xi32>
        %shift_right_logical3A_552 = arith.constant 16 : i32
        %shift_right_logical3A_553 = vector.broadcast %shift_right_logical3A_552 : i32 to vector<16xi32>
        %shift_right_logical3A_554 = arith.shrui %get3A_551, %shift_right_logical3A_553 : vector<16xi32>
        %xor3A_555 = arith.xori %get3A_551, %shift_right_logical3A_554 : vector<16xi32>
        %mul3A_556 = arith.constant 73244475 : i32
        %mul3A_557 = vector.broadcast %mul3A_556 : i32 to vector<16xi32>
        %mul3A_558 = arith.muli %xor3A_555, %mul3A_557 : vector<16xi32>
        %shift_right_logical3A_559 = arith.constant 16 : i32
        %shift_right_logical3A_560 = vector.broadcast %shift_right_logical3A_559 : i32 to vector<16xi32>
        %shift_right_logical3A_561 = arith.shrui %mul3A_558, %shift_right_logical3A_560 : vector<16xi32>
        %xor3A_562 = arith.xori %mul3A_558, %shift_right_logical3A_561 : vector<16xi32>
        %mul3A_563 = arith.constant 73244475 : i32
        %mul3A_564 = vector.broadcast %mul3A_563 : i32 to vector<16xi32>
        %mul3A_565 = arith.muli %xor3A_562, %mul3A_564 : vector<16xi32>
        %shift_right_logical3A_566 = arith.constant 16 : i32
        %shift_right_logical3A_567 = vector.broadcast %shift_right_logical3A_566 : i32 to vector<16xi32>
        %shift_right_logical3A_568 = arith.shrui %mul3A_565, %shift_right_logical3A_567 : vector<16xi32>
        %xor3A_569 = arith.xori %mul3A_565, %shift_right_logical3A_568 : vector<16xi32>
        %shift_right_logical3A_570 = arith.constant 20 : i32
        %shift_right_logical3A_571 = vector.broadcast %shift_right_logical3A_570 : i32 to vector<16xi32>
        %shift_right_logical3A_572 = arith.shrui %xor3A_569, %shift_right_logical3A_571 : vector<16xi32>
        %mul3A_573 = arith.constant 48577 : i32
        %mul3A_574 = vector.broadcast %mul3A_573 : i32 to vector<16xi32>
        %mul3A_575 = arith.muli %shift_right_logical3A_572, %mul3A_574 : vector<16xi32>
        %and3A_576 = arith.constant 1048575 : i32
        %and3A_577 = vector.broadcast %and3A_576 : i32 to vector<16xi32>
        %and3A_578 = arith.andi %xor3A_569, %and3A_577 : vector<16xi32>
        %add3A_579 = arith.addi %mul3A_575, %and3A_578 : vector<16xi32>
        %shift_right_logical3A_580 = arith.constant 20 : i32
        %shift_right_logical3A_581 = vector.broadcast %shift_right_logical3A_580 : i32 to vector<16xi32>
        %shift_right_logical3A_582 = arith.shrui %add3A_579, %shift_right_logical3A_581 : vector<16xi32>
        %mul3A_583 = arith.constant 48577 : i32
        %mul3A_584 = vector.broadcast %mul3A_583 : i32 to vector<16xi32>
        %mul3A_585 = arith.muli %shift_right_logical3A_582, %mul3A_584 : vector<16xi32>
        %and3A_586 = arith.constant 1048575 : i32
        %and3A_587 = vector.broadcast %and3A_586 : i32 to vector<16xi32>
        %and3A_588 = arith.andi %add3A_579, %and3A_587 : vector<16xi32>
        %add3A_589 = arith.addi %mul3A_585, %and3A_588 : vector<16xi32>
        %shift_right_logical3A_590 = arith.constant 20 : i32
        %shift_right_logical3A_591 = vector.broadcast %shift_right_logical3A_590 : i32 to vector<16xi32>
        %shift_right_logical3A_592 = arith.shrui %add3A_589, %shift_right_logical3A_591 : vector<16xi32>
        %mul3A_593 = arith.constant 48577 : i32
        %mul3A_594 = vector.broadcast %mul3A_593 : i32 to vector<16xi32>
        %mul3A_595 = arith.muli %shift_right_logical3A_592, %mul3A_594 : vector<16xi32>
        %and3A_596 = arith.constant 1048575 : i32
        %and3A_597 = vector.broadcast %and3A_596 : i32 to vector<16xi32>
        %and3A_598 = arith.andi %add3A_589, %and3A_597 : vector<16xi32>
        %add3A_599 = arith.addi %mul3A_595, %and3A_598 : vector<16xi32>
        %ge3A_600 = arith.constant 999999 : i32
        %ge3A_601 = vector.broadcast %ge3A_600 : i32 to vector<16xi32>
        %ge3A_602 = arith.cmpi sge, %add3A_599, %ge3A_601 : vector<16xi32>
        %sub3A_603 = arith.constant 999999 : i32
        %sub3A_604 = vector.broadcast %sub3A_603 : i32 to vector<16xi32>
        %sub3A_605 = arith.subi %add3A_599, %sub3A_604 : vector<16xi32>
        %select_n3A_606 = arith.select %ge3A_602, %sub3A_605, %add3A_599 : vector<16xi1>, vector<16xi32>
        %eq3A_607 = arith.constant 0 : i32
        %eq3A_608 = vector.broadcast %eq3A_607 : i32 to vector<16xi32>
        %eq3A_609 = arith.cmpi eq, %get3A_551, %eq3A_608 : vector<16xi32>
        %add3A_610 = arith.constant 1 : i32
        %add3A_611 = vector.broadcast %add3A_610 : i32 to vector<16xi32>
        %add3A_612 = arith.addi %select_n3A_606, %add3A_611 : vector<16xi32>
        %jit3A_613 = arith.constant 0 : i32
        %broadcast_in_dim3A_614 = vector.broadcast %jit3A_613 : i32 to vector<16xi32>
        %select_n3A_615 = arith.select %eq3A_609, %broadcast_in_dim3A_614, %add3A_612 : vector<16xi1>, vector<16xi32>
        %mul3A_616 = arith.constant 16 : i32
        %mul3A_617 = arith.muli %scan3A_546, %mul3A_616 : i32
        %swap3A_618 = arith.index_cast %mul3A_617 : i32 to index
        %swap3A_619 = tpu.vector_load %arg5[%swap3A_618] {strides = array<i32>} : memref<4096xi32, #tpu.memory_space<vmem>>, vector<16xi32>,
        %swap3A_620 = vector.shape_cast %swap3A_619 : vector<16xi32> to vector<16xi32>
        %swap3A_621 = vector.shape_cast %select_n3A_615 : vector<16xi32> to vector<16xi32>
        tpu.vector_store %arg5[%swap3A_618], %swap3A_621 {strides = array<i32>} : memref<4096xi32, #tpu.memory_space<vmem>>, vector<16xi32>,
      }
      %scan3A_17 = arith.constant 256 : i32
      "tpu.region"() ({
        %run_scoped3A = tpu.sem_alloc : memref<!tpu.dma_semaphore, #tpu.memory_space<semaphore_mem>>
        %dma_start3A = tpu.memref_slice %arg3[%add3A_11] : memref<3276800xi32, #tpu.memory_space<hbm>> -> memref<4096xi32, #tpu.memory_space<hbm>>
        %dma_start3A_18 = tpu.memref_slice %arg3[%add3A_11] : memref<3276800xi32, #tpu.memory_space<hbm>> -> memref<4096xi32, #tpu.memory_space<hbm>>
        tpu.enqueue_dma source(%arg5 : memref<4096xi32, #tpu.memory_space<vmem>>) target(%dma_start3A_18 : memref<4096xi32, #tpu.memory_space<hbm>>) target_semaphore(%run_scoped3A : memref<!tpu.dma_semaphore, #tpu.memory_space<semaphore_mem>>)
        %dma_wait3A = tpu.memref_slice %arg3[%add3A_11] : memref<3276800xi32, #tpu.memory_space<hbm>> -> memref<4096xi32, #tpu.memory_space<hbm>>
        %dma_wait3A_19 = tpu.memref_slice %arg3[%add3A_11] : memref<3276800xi32, #tpu.memory_space<hbm>> -> memref<4096xi32, #tpu.memory_space<hbm>>
        tpu.wait_dma2 semaphore(%run_scoped3A : memref<!tpu.dma_semaphore, #tpu.memory_space<semaphore_mem>>) src(%arg5 : memref<4096xi32, #tpu.memory_space<vmem>>) dst(%dma_wait3A_19 : memref<4096xi32, #tpu.memory_space<hbm>>)
        tpu.yield
      }) : () -> ()
    }
    %scan3A_7 = arith.constant 25 : i32
    return
  }
}

</mosaic_0001>

<sc_bundles>
// kernel: kernel.3.cloned.1.call-start
scs
__scs_entry_jumppad:
0x0: {  	(pc) =	sbr.rel $0x88, $3  }
0x1: {  	(tag) =	ssettag $0x0;
	lr =	simm.s32 $0x1  }
0x2: {  	[smem:$0x3FA0] =	sst lr;
	_ =	strace $0xD0000000  }
0x3: {  	_ = 	snop  }
0x4: {  	_ = 	snop  }
0x5: {  	_ = 	snop  }
0x6: {  	_ = 	snop  }
0x7: {  	_ = 	snop  }
__scs_overlays_trampoline_lowered:
0x8: {  	[smem:$0x3FAF] =	sst s0  }
0x9: {  	[smem:$0x3FB0] =	sst s1  }
0xa: {  	[smem:$0x3FB1] =	sst s2  }
0xb: {  	[smem:$0x3FB2] =	sst s3  }
0xc: {  	[smem:$0x3FB3] =	sst s4  }
0xd: {  	[smem:$0x3FB4] =	sst s5  }
0xe: {  	[smem:$0x3FB5] =	sst s6  }
0xf: {  	[smem:$0x3FB6] =	sst s7  }
0x10: {  	[smem:$0x3FB7] =	sst s8  }
0x11: {  	[smem:$0x3FB8] =	sst s9;
	s0 =	simm.s32 @!p0 $0x0  }
0x12: {  	s1 =	sld [smem:$0x3F9E];
	s0 =	simm.s32 @p0 $0x1  }
0x13: {  	[smem:$0x3FB9] =	sst s0;
	s0 =	simm.s32 @!p1 $0x0  }
0x14: {  	s2 =	sld [smem:$0x3F9D];
	s0 =	simm.s32 @p1 $0x1  }
0x15: {  	[smem:$0x3FBA] =	sst s0;
	s0 =	simm.s32 @!p2 $0x0  }
0x16: {  	s3 =	sld [smem:$0x3FDB];
	s0 =	simm.s32 @p2 $0x1  }
0x17: {  	s4 =	simm.s32 $0x1BF5;
	[smem:$0x3FBC] =	sst s0  }
0x18: {  	s0 =	sld [smem:$0x3F9F];
	_ =	swait.ge [sflag:s4], $0x0  }
0x19: {  	s7 =	sld [smem:$0x3FA0]  }
0x1a: {  	s8 =	sadd.s32 $0xFFFFE003, lr  }
0x1b: {  	s9 =	sadd.s32 $0xFFFFFEF7, lr;
	s5 =	simm.s32 $0xFFFFFFFF;
	p2 =	slt.u32 s8, $0xFFFFF086  }
0x1c: {  	p1 =	slt.u32 s9, $0xF7A;
	s5 =	simm.s32 @!p2 $0x0  }
0x1d: {  	s5 =	simm.s32 @p1 $0x1;
	p0 =	seq.s32 s7, s2  }
0x1e: {  	s7 =	smul.u32 @!p0 $0xF7A, s2;
	p2 =	seq.s32 @!p0 s5, $0x0  }
0x1f: {  	s9 =	smul.u32 $0xF7A, s1;
	s8 =	simm.s32 @!p0 $0x1BF5;
	p2 =	por !p2, p0  }
0x20: {  	[sflag:s8] =	ssyncset.s32 @!p0 $0xFFFFF086;
	s6 =	sadd.s32 @!p0 s3, s7;
	s7 =	simm.s32 @!p0 $0x108  }
0x21: {  	s3 =	sadd.s32 s3, s9;
	s6 =	sadd.s32 @!p0 $0x88, s6;
	s7 =	simm.s32 @p2 $0x1082  }
0x22: {  	[simem:s7], [sflag:s8] =	dma.local @!p0 [hbm:s6], $0xF7A  }
0x23: {  	s9 =	sor.u32 $0xD0000000, s2;
	s6 =	simm.s32 $0x108;
	_ =	swait.ge @!p0 [sflag:s8], $0x0  }
0x24: {  	s3 =	sadd.s32 $0x88, s3;
	s6 =	simm.s32 @!p1 $0x1082;
	[sflag:s4] =	ssyncset.s32 $0xFFFFF086  }
0x25: {  	[simem:s6], [sflag:s4] =	dma.local [hbm:s3], $0xF7A  }
0x26: {  	[smem:$0x3FA0] =	sst s1;
	(tag) =	ssettag s2;
	_ =	strace s9  }
0x27: {  	s1 =	sld [smem:$0x3FB0]  }
0x28: {  	s2 =	sld [smem:$0x3FB1]  }
0x29: {  	s4 =	sld [smem:$0x3FB3]  }
0x2a: {  	p0 =	seq.s32 s5, $0x0;
	s5 =	sld [smem:$0x3FB4]  }
0x2b: {  	s6 =	sld [smem:$0x3FB5]  }
0x2c: {  	s7 =	sld [smem:$0x3FB6]  }
0x2d: {  	s3 =	simm.s32 $0x108;
	s8 =	sld [smem:$0x3FB7]  }
0x2e: {  	s3 =	simm.s32 @!p0 $0x1082;
	s9 =	sld [smem:$0x3FB8]  }
0x2f: {  	lr =	sadd.s32 s0, s3;
	s0 =	sld [smem:$0x3FAF]  }
0x30: {  	s3 =	sld [smem:$0x3FB2]  }
0x31: {  	[smem:$0x3FBB] =	sst s10  }
0x32: {  	s10 =	sld [smem:$0x3FB9];
	_ =	sdelay $0x3  }
0x33: {  	p0 =	seq.s32 s10, $0x1;
	s10 =	sld [smem:$0x3FBB];
	_ =	sdelay $0x3  }
0x34: {  	[smem:$0x3FBB] =	sst s10  }
0x35: {  	s10 =	sld [smem:$0x3FBA];
	_ =	sdelay $0x3  }
0x36: {  	p1 =	seq.s32 s10, $0x1;
	s10 =	sld [smem:$0x3FBB];
	_ =	sdelay $0x3  }
0x37: {  	[smem:$0x3FBB] =	sst s10  }
0x38: {  	s10 =	sld [smem:$0x3FBC]  }
0x39: {  	_ = 	snop;
	(pc) =	sbr.ind lr, $3  }
0x3a: {  	_ = 	snop  }
0x3b: {  	_ = 	snop  }
0x3c: {  	p2 =	seq.s32 s10, $0x1;
	s10 =	sld [smem:$0x3FBB]  }
0x3d: {  	_ =	shalt  }
0x3e: {  	_ =	shalt  }
0x3f: {  	_ =	shalt  }
0x40: {  	_ =	shalt  }
0x41: {  	_ =	shalt  }
0x42: {  	_ =	shalt  }
0x43: {  	_ =	shalt  }
0x44: {  	_ =	shalt  }
0x45: {  	_ =	shalt  }
0x46: {  	_ =	shalt  }
0x47: {  	_ =	shalt  }
0x48: {  	_ =	shalt  }
0x49: {  	_ =	shalt  }
0x4a: {  	_ =	shalt  }
0x4b: {  	_ =	shalt  }
0x4c: {  	_ =	shalt  }
0x4d: {  	_ =	shalt  }
0x4e: {  	_ =	shalt  }
0x4f: {  	_ =	shalt  }
0x50: {  	_ =	shalt  }
0x51: {  	_ =	shalt  }
0x52: {  	_ =	shalt  }
0x53: {  	_ =	shalt  }
0x54: {  	_ =	shalt  }
0x55: {  	_ =	shalt  }
0x56: {  	_ =	shalt  }
0x57: {  	_ =	shalt  }
0x58: {  	_ =	shalt  }
0x59: {  	_ =	shalt  }
0x5a: {  	_ =	shalt  }
0x5b: {  	_ =	shalt  }
0x5c: {  	_ =	shalt  }
0x5d: {  	_ =	shalt  }
0x5e: {  	_ =	shalt  }
0x5f: {  	_ =	shalt  }
0x60: {  	_ =	shalt  }
0x61: {  	_ =	shalt  }
0x62: {  	_ =	shalt  }
0x63: {  	_ =	shalt  }
0x64: {  	_ =	shalt  }
0x65: {  	_ =	shalt  }
0x66: {  	_ =	shalt  }
0x67: {  	_ =	shalt  }
0x68: {  	_ =	shalt  }
0x69: {  	_ =	shalt  }
0x6a: {  	_ =	shalt  }
0x6b: {  	_ =	shalt  }
0x6c: {  	_ =	shalt  }
0x6d: {  	_ =	shalt  }
0x6e: {  	_ =	shalt  }
0x6f: {  	_ =	shalt  }
0x70: {  	_ =	shalt  }
0x71: {  	_ =	shalt  }
0x72: {  	_ =	shalt  }
0x73: {  	_ =	shalt  }
0x74: {  	_ =	shalt  }
0x75: {  	_ =	shalt  }
0x76: {  	_ =	shalt  }
0x77: {  	_ =	shalt  }
0x78: {  	_ =	shalt  }
0x79: {  	_ =	shalt  }
0x7a: {  	_ =	shalt  }
0x7b: {  	_ =	shalt  }
0x7c: {  	_ =	shalt  }
0x7d: {  	_ =	shalt  }
0x7e: {  	_ =	shalt  }
0x7f: {  	_ =	shalt  }
0x80: {  	_ =	shalt  }
0x81: {  	_ =	shalt  }
0x82: {  	_ =	shalt  }
0x83: {  	_ =	shalt  }
0x84: {  	_ =	shalt  }
0x85: {  	_ =	shalt  }
0x86: {  	_ =	shalt  }
0x87: {  	_ =	shalt  }
.Lfunc_end0:
.L_simem_size_0:
called_computation_lowered:
.L_overlay_start_0:
0x88: {  	s2 =	sld [smem:$0x3FD9]  }
0x89: {  	s3 =	sld [smem:$0x3FFE];
	_ =	sdelay $0x1  }
0x8a: {  	s1 =	srdreg.scid  }
0x8b: {  	s0 =	sand.u32 $0x1, s1  }
0x8c: {  	s17 =	sshll.u32 s0, $0xA;
	s2 =	sadd.s32 s3, s2  }
0x8d: {  	s2 =	sadd.s32 s2, s17  }
0x8e: {  	[smem:$0x3FC7] =	sst s2  }
0x8f: {  	_ = 	snop  }
0x90: {  	s2 =	sld [smem:$0x3FD0];
	(tm) =	ssettm $0x1  }
0x91: {  	s18 =	sld [smem:$0x3FFB];
	_ =	sdelay $0x3  }
0x92: {  	_ =	strace s18  }
0x93: {  	s3 =	sld [smem:$0x3FFC];
	_ =	sdelay $0x3  }
0x94: {  	_ =	strace s3  }
0x95: {  	s3 =	sld [smem:$0x3FFD];
	_ =	sdelay $0x3  }
0x96: {  	_ =	strace s3  }
0x97: {  	_ =	strace $0x8FFFFFFF  }
0x98: {  	s19 =	sld [smem:$0x3FDB];
	_ =	sdelay $0x1  }
0x99: {  	s4 =	simm.s32 $_scs_section_size  }
0x9a: {  	s5 =	simm.s32 $_size__tile_overlayer_lowered;
	s6 =	simm.s32 $_tile_overlayer_lowered  }
0x9b: {  	s22 =	simm.s32 $0x1BFF;
	s21 =	sshll.u32 s6, $0x1;
	s3 =	sadd.s32 s4, s19  }
0x9c: {  	s7 =	simm.s32 $0x0;
	s20 =	sshll.u32 s5, $0x1;
	s5 =	sadd.s32 s21, s3  }
0x9d: {  	[timem:s7], [sflag:s22] =	dma.local [hbm:s5], s20  }
0x9e: {  	_ =	swait.ge [sflag:s22], s20  }
0x9f: {  	s4 =	ssub.s32 $0x0, s20;
	[sflag:s22] =	ssyncset.done $0x0  }
0xa0: {  	[sflag:s22] =	ssyncadd.s32 s4;
	_ =	sdelay $0x1  }
0xa1: {  	s23 =	simm.s32 $0x1B8B  }
0xa2: {  	_ =	swait.ge [sflag:s23], $0x1  }
0xa3: {  	[sflag:s23] =	ssyncset.done $0x0  }
0xa4: {  	s25 =	simm.s32 $0x1B8E;
	s24 =	sld [smem:$0x3FFE];
	[sflag:s23] =	ssyncadd.s32 $0xFFFFFFFF  }
0xa5: {  	s26 =	simm.s32 $execute0_lowered;
	[smem:$0x3FD2] =	sst s25  }
0xa6: {  	s5 =	sshll.u32 s26, $0x1;
	_ =	strace $0x80000046;
	[dreg:$0x1] =	wrdreg $0xFFFFFFFF  }
0xa7: {  	s28 =	simm.s32 $_size_execute0_lowered;
	s3 =	sadd.s32 s3, s5;
	[dreg:$0x0] =	wrdreg $0x0  }
0xa8: {  	s5 =	sshll.u32 s28, $0x1;
	[dreg:$0x2] =	wrdreg s3  }
0xa9: {  	[dreg:$0x3] =	wrdreg s5  }
0xaa: {  	[dreg:$0x4] =	wrdreg $0xC0  }
0xab: {  	_ =	task [dreg:s7], $0x5FFFF  }
0xac: {  	[dreg:$0x1] =	wrdreg $0xFFFFFFFF  }
0xad: {  	[dreg:$0x0] =	wrdreg $0x60  }
0xae: {  	[dreg:$0x2] =	wrdreg s2  }
0xaf: {  	[dreg:$0x3] =	wrdreg s24  }
0xb0: {  	[dreg:$0x4] =	wrdreg $0x9  }
0xb1: {  	_ =	task.clear_ibuf [dreg:s7], $0x5FFFF;
	_ =	strace $0x90000046  }
0xb2: {  	s29 =	simm.s32 $0x9;
	_ =	strace $0x80000048  }
0xb3: {  	_ =	swait.ge [sflag:s29], $0x1  }
0xb4: {  	[sflag:s29] =	ssyncadd.s32 $0xFFFFFFFF  }
0xb5: {  	_ =	strace $0x90000048  }
0xb6: {  	_ =	sfence  }
0xb7: {  	s30 =	sld [smem:$0x0];
	_ =	sdelay $0x2  }
0xb8: {  	s31 =	sshll.u32 s1, $0xD;
	s1 =	sshrl.u32 s1, $0x2  }
0xb9: {  	s3 =	sand.u32 $0x4000, s31;
	s1 =	sadd.s32 s1, s30  }
0xba: {  	s0 =	sor.u32 s3, s0;
	s1 =	sshll.u32 s1, $0x11  }
0xbb: {  	s0 =	sor.u32 s1, s0  }
0xbc: {  	s0 =	sadd.s32 $0x8F2B, s0  }
0xbd: {  	[sflag:s0] =	ssyncadd.remote.s32 $0x1  }
0xbe: {  	_ =	sfence.sel $0xFFFF  }
0xbf: {  	[dreg:$0x0] =	wrdreg $0xFFFFFFFF;
	(pc) =	sbr.abs _section_cstart, $3  }
0xc0: {  	[dreg:$0x1] =	wrdreg $0xFFFFFFFF  }
0xc1: {  	_ =	task.clear_ibuf [dreg:s7], $0x2FFFF;
	_ =	strace $0x9FFFFFFF  }
0xc2: {  	(tm) =	ssettm $0x7FFFFFFF  }
0xc3: {  	_ =	shalt  }
tec
execute0_lowered:
.L_overlay_start_1:
0x0: {  	(tag) =	ssettag $0x1  }
0x1: {  	s1 =	rddreg [dreg:$0x0]  }
0x2: {  	s4 =	rddreg [dreg:$0x1]  }
0x3: {  	s2 =	srdreg.scid;
	s0 =	rddreg [dreg:$0x2];
	s3 =	simm.s32 $0x0  }
0x4: {  	s9 =	simm.s32 $0x0;
	s5 =	sand.u32 $0x1, s2;
	s2 =	stileid.u32  }
0x5: {  	[smem:$0x7FF] =	sst s3;
	s4 =	sadd.s32 $0x400, s4;
	s6 =	ssub.s32 $0x2, s5  }
0x6: {  	s8 =	sshll.u32 s2, $0x1;
	_ =	strace $0x80000047;
	s7 =	sshrl.u32 s6, $0x1  }
0x7: {  	s5 =	sor.u32 s5, s8;
	s8 =	simm.s32 $0x1000;
	s6 =	ssub.s32 s6, s7  }
0x8: {  	v0 =	vimm.s32 $0x1;
	s5 =	smul.u32 $0x19000, s5;
	s7 =	simm.s32 $0x1;
	s6 =	smax.u32 s6, $0x1  }
.LBB2_1:
0x9: {  	s10 =	simm.s32 $0x0  }
.LBB2_2:
0xa: {  	s11 =	sshll.u32 s10, $0xC  }
0xb: {  	s11 =	sadd.s32 s5, s11  }
0xc: {  	s11 =	sshrl.u32 s11, $0x3  }
0xd: {  	s12 =	sadd.s32 s1, s11  }
0xe: {  	[tilespmem:s3], [sflag:$0x1] =	stream.linear.gather [hbm4b:s12+s3], $0x1000, $0x38;
	[tilespmem:$0x2000] =	vst v63  }
0xf: {  	_ =	swait.ge [sflag:s7], $0x1000  }
0x10: {  	[sflag:s7] =	ssyncset.done $0x0  }
0x11: {  	s12 =	simm.s32 $0x40;
	[sflag:s7] =	ssyncadd.s32 $0xFFFFF000  }
0x12: {  	v1 =	vld [tilespmem:s12+$0xFFFFFFC0];
	_ =	sdelay $0x4  }
0x13: {  	v2 =	vshrl.u32 v1, $0x10  }
0x14: {  	v2 =	vxor.u32 v1, v2  }
0x15: {  	v2 =	vmul.u32 $0x45D9F3B, v2;
	_ =	sdelay $0x1  }
0x16: {  	v3 =	vshrl.u32 v2, $0x10  }
0x17: {  	v2 =	vxor.u32 v2, v3  }
0x18: {  	v2 =	vmul.u32 $0x45D9F3B, v2;
	_ =	sdelay $0x1  }
0x19: {  	v3 =	vshrl.u32 v2, $0x14  }
0x1a: {  	v4 =	vshrl.u32 v2, $0x10;
	v2 =	vand.u32 $0xFFFFF, v2;
	v3 =	vmul.u32 $0xBDC1, v3  }
0x1b: {  	v2 =	vxor.u32 v4, v2  }
0x1c: {  	v2 =	vadd.s32 v2, v3  }
0x1d: {  	v3 =	vshrl.u32 v2, $0x14  }
0x1e: {  	v3 =	vmul.u32 $0xBDC1, v3  }
0x1f: {  	v2 =	vand.u32 $0xFFFFF, v2  }
0x20: {  	v2 =	vadd.s32 v2, v3  }
0x21: {  	v3 =	vshrl.u32 v2, $0x14  }
0x22: {  	v3 =	vmul.u32 $0xBDC1, v3  }
0x23: {  	v2 =	vand.u32 $0xFFFFF, v2  }
0x24: {  	v2 =	vadd.s32 v2, v3  }
0x25: {  	vm0 =	vgt.u32 v2, $0xF423E  }
0x26: {  	v3 =	vsel vm0, $0xFFF0BDC2, v0  }
0x27: {  	vm13 =	veq.s32 v1, $0x0;
	v1 =	vadd.s32 v2, v3  }
0x28: {  	s13 =	simm.s32 $0x1040;
	v1 =	vsel vm13, $0x0, v1  }
0x29: {  	[tilespmem:s13+$0xFFFFFFC0] =	vst v1  }
0x2a: {  	v1 =	vld [tilespmem:s12+$0xFFFFFFD0];
	_ =	sdelay $0x4  }
0x2b: {  	v2 =	vshrl.u32 v1, $0x10  }
0x2c: {  	v2 =	vxor.u32 v1, v2  }
0x2d: {  	v2 =	vmul.u32 $0x45D9F3B, v2;
	_ =	sdelay $0x1  }
0x2e: {  	v3 =	vshrl.u32 v2, $0x10  }
0x2f: {  	v2 =	vxor.u32 v2, v3  }
0x30: {  	v2 =	vmul.u32 $0x45D9F3B, v2;
	_ =	sdelay $0x1  }
0x31: {  	v3 =	vshrl.u32 v2, $0x14  }
0x32: {  	v57 =	vshrl.u32 v2, $0x10;
	v2 =	vand.u32 $0xFFFFF, v2;
	v3 =	vmul.u32 $0xBDC1, v3  }
0x33: {  	v2 =	vxor.u32 v57, v2  }
0x34: {  	v2 =	vadd.s32 v2, v3  }
0x35: {  	v3 =	vshrl.u32 v2, $0x14  }
0x36: {  	v3 =	vmul.u32 $0xBDC1, v3  }
0x37: {  	v2 =	vand.u32 $0xFFFFF, v2  }
0x38: {  	v2 =	vadd.s32 v2, v3  }
0x39: {  	v3 =	vshrl.u32 v2, $0x14  }
0x3a: {  	v3 =	vmul.u32 $0xBDC1, v3  }
0x3b: {  	v2 =	vand.u32 $0xFFFFF, v2  }
0x3c: {  	v2 =	vadd.s32 v2, v3  }
0x3d: {  	vm14 =	vgt.u32 v2, $0xF423E  }
0x3e: {  	v3 =	vsel vm14, $0xFFF0BDC2, v0  }
0x3f: {  	vm15 =	veq.s32 v1, $0x0;
	v1 =	vadd.s32 v2, v3  }
0x40: {  	v1 =	vsel vm15, $0x0, v1  }
0x41: {  	[tilespmem:s13+$0xFFFFFFD0] =	vst v1  }
0x42: {  	v1 =	vld [tilespmem:s12+$0xFFFFFFE0];
	_ =	sdelay $0x4  }
0x43: {  	v2 =	vshrl.u32 v1, $0x10  }
0x44: {  	v2 =	vxor.u32 v1, v2  }
0x45: {  	v2 =	vmul.u32 $0x45D9F3B, v2;
	_ =	sdelay $0x1  }
0x46: {  	v3 =	vshrl.u32 v2, $0x10  }
0x47: {  	v2 =	vxor.u32 v2, v3  }
0x48: {  	v2 =	vmul.u32 $0x45D9F3B, v2;
	_ =	sdelay $0x1  }
0x49: {  	v3 =	vshrl.u32 v2, $0x14  }
0x4a: {  	v58 =	vshrl.u32 v2, $0x10;
	v2 =	vand.u32 $0xFFFFF, v2;
	v3 =	vmul.u32 $0xBDC1, v3  }
0x4b: {  	v2 =	vxor.u32 v58, v2  }
0x4c: {  	v2 =	vadd.s32 v2, v3  }
0x4d: {  	v3 =	vshrl.u32 v2, $0x14  }
0x4e: {  	v3 =	vmul.u32 $0xBDC1, v3  }
0x4f: {  	v2 =	vand.u32 $0xFFFFF, v2  }
0x50: {  	v2 =	vadd.s32 v2, v3  }
0x51: {  	v3 =	vshrl.u32 v2, $0x14  }
0x52: {  	v3 =	vmul.u32 $0xBDC1, v3  }
0x53: {  	v2 =	vand.u32 $0xFFFFF, v2  }
0x54: {  	v2 =	vadd.s32 v2, v3  }
0x55: {  	vm4 =	vgt.u32 v2, $0xF423E  }
0x56: {  	v3 =	vsel vm4, $0xFFF0BDC2, v0  }
0x57: {  	vm5 =	veq.s32 v1, $0x0;
	v1 =	vadd.s32 v2, v3  }
0x58: {  	v1 =	vsel vm5, $0x0, v1  }
0x59: {  	[tilespmem:s13+$0xFFFFFFE0] =	vst v1  }
0x5a: {  	v1 =	vld [tilespmem:s12+$0xFFFFFFF0];
	_ =	sdelay $0x4  }
0x5b: {  	v2 =	vshrl.u32 v1, $0x10  }
0x5c: {  	v2 =	vxor.u32 v1, v2  }
0x5d: {  	v2 =	vmul.u32 $0x45D9F3B, v2;
	_ =	sdelay $0x1  }
0x5e: {  	v3 =	vshrl.u32 v2, $0x10  }
0x5f: {  	v2 =	vxor.u32 v2, v3  }
0x60: {  	v2 =	vmul.u32 $0x45D9F3B, v2;
	_ =	sdelay $0x1  }
0x61: {  	v3 =	vshrl.u32 v2, $0x14  }
0x62: {  	v59 =	vshrl.u32 v2, $0x10;
	v2 =	vand.u32 $0xFFFFF, v2;
	v3 =	vmul.u32 $0xBDC1, v3  }
0x63: {  	v2 =	vxor.u32 v59, v2  }
0x64: {  	v2 =	vadd.s32 v2, v3  }
0x65: {  	v3 =	vshrl.u32 v2, $0x14  }
0x66: {  	v3 =	vmul.u32 $0xBDC1, v3  }
0x67: {  	v2 =	vand.u32 $0xFFFFF, v2  }
0x68: {  	v2 =	vadd.s32 v2, v3  }
0x69: {  	v3 =	vshrl.u32 v2, $0x14  }
0x6a: {  	v3 =	vmul.u32 $0xBDC1, v3  }
0x6b: {  	v2 =	vand.u32 $0xFFFFF, v2  }
0x6c: {  	v2 =	vadd.s32 v2, v3  }
0x6d: {  	vm6 =	vgt.u32 v2, $0xF423E  }
0x6e: {  	v3 =	vsel vm6, $0xFFF0BDC2, v0  }
0x6f: {  	vm7 =	veq.s32 v1, $0x0;
	v1 =	vadd.s32 v2, v3  }
0x70: {  	v1 =	vsel vm7, $0x0, v1  }
0x71: {  	[tilespmem:s13+$0xFFFFFFF0] =	vst v1  }
0x72: {  	v1 =	vld [tilespmem:s12+$0x0];
	_ =	sdelay $0x4  }
0x73: {  	v2 =	vshrl.u32 v1, $0x10  }
0x74: {  	v2 =	vxor.u32 v1, v2  }
0x75: {  	v2 =	vmul.u32 $0x45D9F3B, v2;
	_ =	sdelay $0x1  }
0x76: {  	v3 =	vshrl.u32 v2, $0x10  }
0x77: {  	v2 =	vxor.u32 v2, v3  }
0x78: {  	v2 =	vmul.u32 $0x45D9F3B, v2;
	_ =	sdelay $0x1  }
0x79: {  	v3 =	vshrl.u32 v2, $0x14  }
0x7a: {  	v60 =	vshrl.u32 v2, $0x10;
	v2 =	vand.u32 $0xFFFFF, v2;
	v3 =	vmul.u32 $0xBDC1, v3  }
0x7b: {  	v2 =	vxor.u32 v60, v2  }
0x7c: {  	v2 =	vadd.s32 v2, v3  }
0x7d: {  	v3 =	vshrl.u32 v2, $0x14  }
0x7e: {  	v3 =	vmul.u32 $0xBDC1, v3  }
0x7f: {  	v2 =	vand.u32 $0xFFFFF, v2  }
0x80: {  	v2 =	vadd.s32 v2, v3  }
0x81: {  	v3 =	vshrl.u32 v2, $0x14  }
0x82: {  	v3 =	vmul.u32 $0xBDC1, v3  }
0x83: {  	v2 =	vand.u32 $0xFFFFF, v2  }
0x84: {  	v2 =	vadd.s32 v2, v3  }
0x85: {  	vm8 =	vgt.u32 v2, $0xF423E  }
0x86: {  	v3 =	vsel vm8, $0xFFF0BDC2, v0  }
0x87: {  	vm9 =	veq.s32 v1, $0x0;
	v1 =	vadd.s32 v2, v3  }
0x88: {  	v1 =	vsel vm9, $0x0, v1  }
0x89: {  	[tilespmem:s13+$0x0] =	vst v1  }
0x8a: {  	v1 =	vld [tilespmem:s12+$0x10];
	_ =	sdelay $0x4  }
0x8b: {  	v2 =	vshrl.u32 v1, $0x10  }
0x8c: {  	v2 =	vxor.u32 v1, v2  }
0x8d: {  	v2 =	vmul.u32 $0x45D9F3B, v2;
	_ =	sdelay $0x1  }
0x8e: {  	v3 =	vshrl.u32 v2, $0x10  }
0x8f: {  	v2 =	vxor.u32 v2, v3  }
0x90: {  	v2 =	vmul.u32 $0x45D9F3B, v2;
	_ =	sdelay $0x1  }
0x91: {  	v3 =	vshrl.u32 v2, $0x14  }
0x92: {  	v61 =	vshrl.u32 v2, $0x10;
	v2 =	vand.u32 $0xFFFFF, v2;
	v3 =	vmul.u32 $0xBDC1, v3  }
0x93: {  	v2 =	vxor.u32 v61, v2  }
0x94: {  	v2 =	vadd.s32 v2, v3  }
0x95: {  	v3 =	vshrl.u32 v2, $0x14  }
0x96: {  	v3 =	vmul.u32 $0xBDC1, v3  }
0x97: {  	v2 =	vand.u32 $0xFFFFF, v2  }
0x98: {  	v2 =	vadd.s32 v2, v3  }
0x99: {  	v3 =	vshrl.u32 v2, $0x14  }
0x9a: {  	v3 =	vmul.u32 $0xBDC1, v3  }
0x9b: {  	v2 =	vand.u32 $0xFFFFF, v2  }
0x9c: {  	v2 =	vadd.s32 v2, v3  }
0x9d: {  	vm10 =	vgt.u32 v2, $0xF423E  }
0x9e: {  	v3 =	vsel vm10, $0xFFF0BDC2, v0  }
0x9f: {  	vm11 =	veq.s32 v1, $0x0;
	v1 =	vadd.s32 v2, v3  }
0xa0: {  	v1 =	vsel vm11, $0x0, v1  }
0xa1: {  	[tilespmem:s13+$0x10] =	vst v1  }
0xa2: {  	v1 =	vld [tilespmem:s12+$0x20];
	_ =	sdelay $0x4  }
0xa3: {  	v2 =	vshrl.u32 v1, $0x10  }
0xa4: {  	v2 =	vxor.u32 v1, v2  }
0xa5: {  	v2 =	vmul.u32 $0x45D9F3B, v2;
	_ =	sdelay $0x1  }
0xa6: {  	v3 =	vshrl.u32 v2, $0x10  }
0xa7: {  	v2 =	vxor.u32 v2, v3  }
0xa8: {  	v2 =	vmul.u32 $0x45D9F3B, v2;
	_ =	sdelay $0x1  }
0xa9: {  	v3 =	vshrl.u32 v2, $0x14  }
0xaa: {  	v62 =	vshrl.u32 v2, $0x10;
	v2 =	vand.u32 $0xFFFFF, v2;
	v3 =	vmul.u32 $0xBDC1, v3  }
0xab: {  	v2 =	vxor.u32 v62, v2  }
0xac: {  	v2 =	vadd.s32 v2, v3  }
0xad: {  	v3 =	vshrl.u32 v2, $0x14  }
0xae: {  	v3 =	vmul.u32 $0xBDC1, v3  }
0xaf: {  	v2 =	vand.u32 $0xFFFFF, v2  }
0xb0: {  	v2 =	vadd.s32 v2, v3  }
0xb1: {  	v3 =	vshrl.u32 v2, $0x14  }
0xb2: {  	v3 =	vmul.u32 $0xBDC1, v3  }
0xb3: {  	v2 =	vand.u32 $0xFFFFF, v2  }
0xb4: {  	v2 =	vadd.s32 v2, v3  }
0xb5: {  	vm12 =	vgt.u32 v2, $0xF423E  }
0xb6: {  	v3 =	vsel vm12, $0xFFF0BDC2, v0  }
0xb7: {  	vm13 =	veq.s32 v1, $0x0;
	v1 =	vadd.s32 v2, v3  }
0xb8: {  	v1 =	vsel vm13, $0x0, v1  }
0xb9: {  	[tilespmem:s13+$0x20] =	vst v1  }
0xba: {  	v1 =	vld [tilespmem:s12+$0x30];
	_ =	sdelay $0x4  }
0xbb: {  	v2 =	vshrl.u32 v1, $0x10  }
0xbc: {  	v2 =	vxor.u32 v1, v2  }
0xbd: {  	v2 =	vmul.u32 $0x45D9F3B, v2;
	_ =	sdelay $0x1  }
0xbe: {  	v3 =	vshrl.u32 v2, $0x10  }
0xbf: {  	v2 =	vxor.u32 v2, v3  }
0xc0: {  	v2 =	vmul.u32 $0x45D9F3B, v2;
	_ =	sdelay $0x1  }
0xc1: {  	v3 =	vshrl.u32 v2, $0x14  }
0xc2: {  	v63 =	vshrl.u32 v2, $0x10;
	v2 =	vand.u32 $0xFFFFF, v2;
	v3 =	vmul.u32 $0xBDC1, v3  }
0xc3: {  	v2 =	vxor.u32 v63, v2  }
0xc4: {  	v2 =	vadd.s32 v2, v3  }
0xc5: {  	v3 =	vshrl.u32 v2, $0x14  }
0xc6: {  	v3 =	vmul.u32 $0xBDC1, v3  }
0xc7: {  	v2 =	vand.u32 $0xFFFFF, v2  }
0xc8: {  	v2 =	vadd.s32 v2, v3  }
0xc9: {  	v3 =	vshrl.u32 v2, $0x14  }
0xca: {  	v3 =	vmul.u32 $0xBDC1, v3  }
0xcb: {  	v2 =	vand.u32 $0xFFFFF, v2  }
0xcc: {  	v2 =	vadd.s32 v2, v3  }
0xcd: {  	vm14 =	vgt.u32 v2, $0xF423E  }
0xce: {  	v3 =	vsel vm14, $0xFFF0BDC2, v0  }
0xcf: {  	vm15 =	veq.s32 v1, $0x0;
	v1 =	vadd.s32 v2, v3  }
0xd0: {  	s14 =	simm.s32 $0x0;
	v1 =	vsel vm15, $0x0, v1  }
.LBB2_3:
0xd1: {  	s14 =	sadd.s32 $0x8, s14;
	[tilespmem:s13+$0x30] =	vst v1;
	s12 =	sadd.s32 $0x80, s12;
	s13 =	sadd.s32 $0x80, s13  }
0xd2: {  	v1 =	vld [tilespmem:s12+$0xFFFFFFC0];
	p0 =	slt.u32 s14, $0xF8;
	_ =	sdelay $0x4  }
0xd3: {  	v2 =	vshrl.u32 v1, $0x10  }
0xd4: {  	v2 =	vxor.u32 v1, v2  }
0xd5: {  	v2 =	vmul.u32 $0x45D9F3B, v2;
	_ =	sdelay $0x1  }
0xd6: {  	v3 =	vshrl.u32 v2, $0x10  }
0xd7: {  	v2 =	vxor.u32 v2, v3  }
0xd8: {  	v2 =	vmul.u32 $0x45D9F3B, v2;
	_ =	sdelay $0x1  }
0xd9: {  	v3 =	vshrl.u32 v2, $0x10;
	v4 =	vshrl.u32 v2, $0x14;
	v2 =	vand.u32 $0xFFFFF, v2  }
0xda: {  	v4 =	vmul.u32 $0xBDC1, v4;
	v2 =	vxor.u32 v3, v2;
	_ =	sdelay $0x1  }
0xdb: {  	v2 =	vadd.s32 v2, v4  }
0xdc: {  	v3 =	vshrl.u32 v2, $0x14  }
0xdd: {  	v3 =	vmul.u32 $0xBDC1, v3  }
0xde: {  	v2 =	vand.u32 $0xFFFFF, v2  }
0xdf: {  	v2 =	vadd.s32 v2, v3  }
0xe0: {  	v3 =	vshrl.u32 v2, $0x14  }
0xe1: {  	v3 =	vmul.u32 $0xBDC1, v3  }
0xe2: {  	v2 =	vand.u32 $0xFFFFF, v2  }
0xe3: {  	v2 =	vadd.s32 v2, v3  }
0xe4: {  	vm0 =	vgt.u32 v2, $0xF423E  }
0xe5: {  	v3 =	vsel vm0, $0xFFF0BDC2, v0  }
0xe6: {  	vm0 =	veq.s32 v1, $0x0;
	v1 =	vadd.s32 v2, v3  }
0xe7: {  	v1 =	vsel vm0, $0x0, v1  }
0xe8: {  	[tilespmem:s13+$0xFFFFFFC0] =	vst v1  }
0xe9: {  	v1 =	vld [tilespmem:s12+$0xFFFFFFD0];
	_ =	sdelay $0x4  }
0xea: {  	v2 =	vshrl.u32 v1, $0x10  }
0xeb: {  	v2 =	vxor.u32 v1, v2  }
0xec: {  	v2 =	vmul.u32 $0x45D9F3B, v2;
	_ =	sdelay $0x1  }
0xed: {  	v3 =	vshrl.u32 v2, $0x10  }
0xee: {  	v2 =	vxor.u32 v2, v3  }
0xef: {  	v2 =	vmul.u32 $0x45D9F3B, v2;
	_ =	sdelay $0x1  }
0xf0: {  	v3 =	vshrl.u32 v2, $0x10;
	v4 =	vshrl.u32 v2, $0x14;
	v2 =	vand.u32 $0xFFFFF, v2  }
0xf1: {  	v4 =	vmul.u32 $0xBDC1, v4;
	v2 =	vxor.u32 v3, v2;
	_ =	sdelay $0x1  }
0xf2: {  	v2 =	vadd.s32 v2, v4  }
0xf3: {  	v3 =	vshrl.u32 v2, $0x14  }
0xf4: {  	v3 =	vmul.u32 $0xBDC1, v3  }
0xf5: {  	v2 =	vand.u32 $0xFFFFF, v2  }
0xf6: {  	v2 =	vadd.s32 v2, v3  }
0xf7: {  	v3 =	vshrl.u32 v2, $0x14  }
0xf8: {  	v3 =	vmul.u32 $0xBDC1, v3  }
0xf9: {  	v2 =	vand.u32 $0xFFFFF, v2  }
0xfa: {  	v2 =	vadd.s32 v2, v3  }
0xfb: {  	vm0 =	vgt.u32 v2, $0xF423E  }
0xfc: {  	v3 =	vsel vm0, $0xFFF0BDC2, v0  }
0xfd: {  	vm0 =	veq.s32 v1, $0x0;
	v1 =	vadd.s32 v2, v3  }
0xfe: {  	v1 =	vsel vm0, $0x0, v1  }
0xff: {  	[tilespmem:s13+$0xFFFFFFD0] =	vst v1  }
0x100: {  	v1 =	vld [tilespmem:s12+$0xFFFFFFE0];
	_ =	sdelay $0x4  }
0x101: {  	v2 =	vshrl.u32 v1, $0x10  }
0x102: {  	v2 =	vxor.u32 v1, v2  }
0x103: {  	v2 =	vmul.u32 $0x45D9F3B, v2;
	_ =	sdelay $0x1  }
0x104: {  	v3 =	vshrl.u32 v2, $0x10  }
0x105: {  	v2 =	vxor.u32 v2, v3  }
0x106: {  	v2 =	vmul.u32 $0x45D9F3B, v2;
	_ =	sdelay $0x1  }
0x107: {  	v3 =	vshrl.u32 v2, $0x10;
	v4 =	vshrl.u32 v2, $0x14;
	v2 =	vand.u32 $0xFFFFF, v2  }
0x108: {  	v4 =	vmul.u32 $0xBDC1, v4;
	v2 =	vxor.u32 v3, v2;
	_ =	sdelay $0x1  }
0x109: {  	v2 =	vadd.s32 v2, v4  }
0x10a: {  	v3 =	vshrl.u32 v2, $0x14  }
0x10b: {  	v3 =	vmul.u32 $0xBDC1, v3  }
0x10c: {  	v2 =	vand.u32 $0xFFFFF, v2  }
0x10d: {  	v2 =	vadd.s32 v2, v3  }
0x10e: {  	v3 =	vshrl.u32 v2, $0x14  }
0x10f: {  	v3 =	vmul.u32 $0xBDC1, v3  }
0x110: {  	v2 =	vand.u32 $0xFFFFF, v2  }
0x111: {  	v2 =	vadd.s32 v2, v3  }
0x112: {  	vm0 =	vgt.u32 v2, $0xF423E  }
0x113: {  	v3 =	vsel vm0, $0xFFF0BDC2, v0  }
0x114: {  	vm0 =	veq.s32 v1, $0x0;
	v1 =	vadd.s32 v2, v3  }
0x115: {  	v1 =	vsel vm0, $0x0, v1  }
0x116: {  	[tilespmem:s13+$0xFFFFFFE0] =	vst v1  }
0x117: {  	v1 =	vld [tilespmem:s12+$0xFFFFFFF0];
	_ =	sdelay $0x4  }
0x118: {  	v2 =	vshrl.u32 v1, $0x10  }
0x119: {  	v2 =	vxor.u32 v1, v2  }
0x11a: {  	v2 =	vmul.u32 $0x45D9F3B, v2;
	_ =	sdelay $0x1  }
0x11b: {  	v3 =	vshrl.u32 v2, $0x10  }
0x11c: {  	v2 =	vxor.u32 v2, v3  }
0x11d: {  	v2 =	vmul.u32 $0x45D9F3B, v2;
	_ =	sdelay $0x1  }
0x11e: {  	v3 =	vshrl.u32 v2, $0x10;
	v4 =	vshrl.u32 v2, $0x14;
	v2 =	vand.u32 $0xFFFFF, v2  }
0x11f: {  	v4 =	vmul.u32 $0xBDC1, v4;
	v2 =	vxor.u32 v3, v2;
	_ =	sdelay $0x1  }
0x120: {  	v2 =	vadd.s32 v2, v4  }
0x121: {  	v3 =	vshrl.u32 v2, $0x14  }
0x122: {  	v3 =	vmul.u32 $0xBDC1, v3  }
0x123: {  	v2 =	vand.u32 $0xFFFFF, v2  }
0x124: {  	v2 =	vadd.s32 v2, v3  }
0x125: {  	v3 =	vshrl.u32 v2, $0x14  }
0x126: {  	v3 =	vmul.u32 $0xBDC1, v3  }
0x127: {  	v2 =	vand.u32 $0xFFFFF, v2  }
0x128: {  	v2 =	vadd.s32 v2, v3  }
0x129: {  	vm0 =	vgt.u32 v2, $0xF423E  }
0x12a: {  	v3 =	vsel vm0, $0xFFF0BDC2, v0  }
0x12b: {  	vm0 =	veq.s32 v1, $0x0;
	v1 =	vadd.s32 v2, v3  }
0x12c: {  	v1 =	vsel vm0, $0x0, v1  }
0x12d: {  	[tilespmem:s13+$0xFFFFFFF0] =	vst v1  }
0x12e: {  	v1 =	vld [tilespmem:s12+$0x0];
	_ =	sdelay $0x4  }
0x12f: {  	v2 =	vshrl.u32 v1, $0x10  }
0x130: {  	v2 =	vxor.u32 v1, v2  }
0x131: {  	v2 =	vmul.u32 $0x45D9F3B, v2;
	_ =	sdelay $0x1  }
0x132: {  	v3 =	vshrl.u32 v2, $0x10  }
0x133: {  	v2 =	vxor.u32 v2, v3  }
0x134: {  	v2 =	vmul.u32 $0x45D9F3B, v2;
	_ =	sdelay $0x1  }
0x135: {  	v3 =	vshrl.u32 v2, $0x10;
	v4 =	vshrl.u32 v2, $0x14;
	v2 =	vand.u32 $0xFFFFF, v2  }
0x136: {  	v4 =	vmul.u32 $0xBDC1, v4;
	v2 =	vxor.u32 v3, v2;
	_ =	sdelay $0x1  }
0x137: {  	v2 =	vadd.s32 v2, v4  }
0x138: {  	v3 =	vshrl.u32 v2, $0x14  }
0x139: {  	v3 =	vmul.u32 $0xBDC1, v3  }
0x13a: {  	v2 =	vand.u32 $0xFFFFF, v2  }
0x13b: {  	v2 =	vadd.s32 v2, v3  }
0x13c: {  	v3 =	vshrl.u32 v2, $0x14  }
0x13d: {  	v3 =	vmul.u32 $0xBDC1, v3  }
0x13e: {  	v2 =	vand.u32 $0xFFFFF, v2  }
0x13f: {  	v2 =	vadd.s32 v2, v3  }
0x140: {  	vm0 =	vgt.u32 v2, $0xF423E  }
0x141: {  	v3 =	vsel vm0, $0xFFF0BDC2, v0  }
0x142: {  	vm0 =	veq.s32 v1, $0x0;
	v1 =	vadd.s32 v2, v3  }
0x143: {  	v1 =	vsel vm0, $0x0, v1  }
0x144: {  	[tilespmem:s13+$0x0] =	vst v1  }
0x145: {  	v1 =	vld [tilespmem:s12+$0x10];
	_ =	sdelay $0x4  }
0x146: {  	v2 =	vshrl.u32 v1, $0x10  }
0x147: {  	v2 =	vxor.u32 v1, v2  }
0x148: {  	v2 =	vmul.u32 $0x45D9F3B, v2;
	_ =	sdelay $0x1  }
0x149: {  	v3 =	vshrl.u32 v2, $0x10  }
0x14a: {  	v2 =	vxor.u32 v2, v3  }
0x14b: {  	v2 =	vmul.u32 $0x45D9F3B, v2;
	_ =	sdelay $0x1  }
0x14c: {  	v3 =	vshrl.u32 v2, $0x10;
	v4 =	vshrl.u32 v2, $0x14;
	v2 =	vand.u32 $0xFFFFF, v2  }
0x14d: {  	v4 =	vmul.u32 $0xBDC1, v4;
	v2 =	vxor.u32 v3, v2;
	_ =	sdelay $0x1  }
0x14e: {  	v2 =	vadd.s32 v2, v4  }
0x14f: {  	v3 =	vshrl.u32 v2, $0x14  }
0x150: {  	v3 =	vmul.u32 $0xBDC1, v3  }
0x151: {  	v2 =	vand.u32 $0xFFFFF, v2  }
0x152: {  	v2 =	vadd.s32 v2, v3  }
0x153: {  	v3 =	vshrl.u32 v2, $0x14  }
0x154: {  	v3 =	vmul.u32 $0xBDC1, v3  }
0x155: {  	v2 =	vand.u32 $0xFFFFF, v2  }
0x156: {  	v2 =	vadd.s32 v2, v3  }
0x157: {  	vm0 =	vgt.u32 v2, $0xF423E  }
0x158: {  	v3 =	vsel vm0, $0xFFF0BDC2, v0  }
0x159: {  	vm0 =	veq.s32 v1, $0x0;
	v1 =	vadd.s32 v2, v3  }
0x15a: {  	v1 =	vsel vm0, $0x0, v1  }
0x15b: {  	[tilespmem:s13+$0x10] =	vst v1  }
0x15c: {  	v1 =	vld [tilespmem:s12+$0x20];
	_ =	sdelay $0x4  }
0x15d: {  	v2 =	vshrl.u32 v1, $0x10  }
0x15e: {  	v2 =	vxor.u32 v1, v2  }
0x15f: {  	v2 =	vmul.u32 $0x45D9F3B, v2;
	_ =	sdelay $0x1  }
0x160: {  	v3 =	vshrl.u32 v2, $0x10  }
0x161: {  	v2 =	vxor.u32 v2, v3  }
0x162: {  	v2 =	vmul.u32 $0x45D9F3B, v2;
	_ =	sdelay $0x1  }
0x163: {  	v3 =	vshrl.u32 v2, $0x10;
	v4 =	vshrl.u32 v2, $0x14;
	v2 =	vand.u32 $0xFFFFF, v2  }
0x164: {  	v4 =	vmul.u32 $0xBDC1, v4;
	v2 =	vxor.u32 v3, v2;
	_ =	sdelay $0x1  }
0x165: {  	v2 =	vadd.s32 v2, v4  }
0x166: {  	v3 =	vshrl.u32 v2, $0x14  }
0x167: {  	v3 =	vmul.u32 $0xBDC1, v3  }
0x168: {  	v2 =	vand.u32 $0xFFFFF, v2  }
0x169: {  	v2 =	vadd.s32 v2, v3  }
0x16a: {  	v3 =	vshrl.u32 v2, $0x14  }
0x16b: {  	v3 =	vmul.u32 $0xBDC1, v3  }
0x16c: {  	v2 =	vand.u32 $0xFFFFF, v2  }
0x16d: {  	v2 =	vadd.s32 v2, v3  }
0x16e: {  	vm0 =	vgt.u32 v2, $0xF423E  }
0x16f: {  	v3 =	vsel vm0, $0xFFF0BDC2, v0  }
0x170: {  	vm0 =	veq.s32 v1, $0x0;
	v1 =	vadd.s32 v2, v3  }
0x171: {  	v1 =	vsel vm0, $0x0, v1  }
0x172: {  	[tilespmem:s13+$0x20] =	vst v1  }
0x173: {  	v1 =	vld [tilespmem:s12+$0x30];
	_ =	sdelay $0x4  }
0x174: {  	v2 =	vshrl.u32 v1, $0x10  }
0x175: {  	v2 =	vxor.u32 v1, v2  }
0x176: {  	v2 =	vmul.u32 $0x45D9F3B, v2;
	_ =	sdelay $0x1  }
0x177: {  	v3 =	vshrl.u32 v2, $0x10  }
0x178: {  	v2 =	vxor.u32 v2, v3  }
0x179: {  	v2 =	vmul.u32 $0x45D9F3B, v2;
	_ =	sdelay $0x1  }
0x17a: {  	v3 =	vshrl.u32 v2, $0x10;
	v4 =	vshrl.u32 v2, $0x14;
	v2 =	vand.u32 $0xFFFFF, v2  }
0x17b: {  	v4 =	vmul.u32 $0xBDC1, v4;
	v2 =	vxor.u32 v3, v2;
	_ =	sdelay $0x1  }
0x17c: {  	v2 =	vadd.s32 v2, v4  }
0x17d: {  	v3 =	vshrl.u32 v2, $0x14  }
0x17e: {  	v3 =	vmul.u32 $0xBDC1, v3  }
0x17f: {  	v2 =	vand.u32 $0xFFFFF, v2  }
0x180: {  	v2 =	vadd.s32 v2, v3  }
0x181: {  	v3 =	vshrl.u32 v2, $0x14  }
0x182: {  	v3 =	vmul.u32 $0xBDC1, v3  }
0x183: {  	v2 =	vand.u32 $0xFFFFF, v2  }
.Ltmp0:
0x184: {  	v2 =	vadd.s32 v2, v3;
	(pc) =	sbr.rel @p0 .LBB2_3-.Ltmp0, $4  }
0x185: {  	vm0 =	vgt.u32 v2, $0xF423E  }
0x186: {  	v3 =	vsel vm0, $0xFFF0BDC2, v0  }
0x187: {  	vm0 =	veq.s32 v1, $0x0;
	v1 =	vadd.s32 v2, v3  }
0x188: {  	v1 =	vsel vm0, $0x0, v1  }
0x189: {  	s10 =	sadd.s32 $0x1, s10  }
0x18a: {  	p0 =	sne.s32 s10, $0x19  }
.Ltmp1:
0x18b: {  	[tilespmem:s13+$0x30] =	vst v1;
	s11 =	sadd.s32 s4, s11;
	(pc) =	sbr.rel @p0 .LBB2_2-.Ltmp1, $4  }
0x18c: {  	[hbm4b:s11+s3] =	stream.linear.scatter [tilespmem:s8], [sflag:$0x1], $0x1000, $0x38;
	[tilespmem:$0x2000] =	vst v63  }
0x18d: {  	_ =	swait.ge [sflag:s7], $0x1000  }
0x18e: {  	[sflag:s7] =	ssyncset.done $0x0  }
0x18f: {  	[sflag:s7] =	ssyncadd.s32 $0xFFFFF000  }
0x190: {  	s9 =	sadd.s32 $0x1, s9  }
0x191: {  	p0 =	sne.s32 s9, s6  }
.Ltmp2:
0x192: {  	_ = 	snop;
	(pc) =	sbr.rel @p0 .LBB2_1-.Ltmp2, $1  }
0x193: {  	_ =	sdelay $0x3  }
0x194: {  	_ =	sfence.sel $0x180000  }
0x195: {  	[bflag:$0x0] =	sbarrier.arrive $0xFFFF  }
0x196: {  	p0 =	sne.s32 s2, $0x0;
	_ =	strace $0x90000047  }
0x197: {  	s0 =	sadd.s32 @!p0 $0x100000, s0;
	[bflag:$0x2] =	sbarrier.arrive $0xFFFF  }
0x198: {  	[sflag:s0] =	ssyncadd.tile.s32 @!p0 $0x1;
	_ =	shalt  }
.Lfunc_end2:
_tile_overlayer_lowered:
.L_overlay_start_2:
0x199: {  	(tag) =	ssettag $0x2  }
0x19a: {  	s0 =	rddreg [dreg:$0x0];
	s2 =	stileid.u32  }
0x19b: {  	s1 =	rddreg [dreg:$0x1];
	p0 =	sne.s32 s2, $0x0  }
0x19c: {  	s3 =	rddreg [dreg:$0x2];
	[bflag:$0x3] =	sbarrier.arrive $0xFFFF;
	s2 =	simm.s32 @!p0 $0x1C01  }
0x19d: {  	[timem:s3], [sflag:s2] =	dma.local @!p0 [hbm:s0], s1  }
0x19e: {  	s0 =	simm.s32 @!p0 $0x1  }
0x19f: {  	_ =	swait.ge @!p0 [sflag:s0], s1  }
0x1a0: {  	s1 =	ssub.s32 @!p0 $0x0, s1;
	[sflag:s0] =	ssyncset.done @!p0 $0x0  }
0x1a1: {  	[sflag:s0] =	ssyncadd.s32 @!p0 s1  }
0x1a2: {  	[bflag:$0x3] =	sbarrier.arrive $0xFFFF  }
0x1a3: {  	_ =	shalt  }

</sc_bundles>
